<compile_context>
chip_gen: v7x
topology: tpu7x:2x2x1
jax: 0.10.2.dev20260603
libtpu: 0.0.44.dev20260713+nightly
codegen_flags: <defaults>
</compile_context>

<pallas_src>
import functools

import jax
import jax.numpy as jnp
from jax import lax
from jax.experimental import pallas as pl
from jax.experimental.pallas import tpu as pltpu
from jax.experimental.pallas import tpu_sc as plsc

N = 10000
E = 320000
D = 128
DH = D // 2
DO3 = 384

NC = 2
NS = 16
NW = NC * NS
CHUNK = 128
CPW = 80
E_PAD = NW * CPW * CHUNK
CPS = 160
NP = 10240
RPS = NP // NS
RCHUNK = 128
NCOPY = RPS // RCHUNK

_mesh = plsc.VectorSubcoreMesh(core_axis_name="c", subcore_axis_name="s")


@functools.partial(
    pl.kernel,
    out_type=jax.ShapeDtypeStruct((NC * NP, 16), jnp.float32),
    mesh=_mesh,
    scratch_types=[
        pltpu.VMEM((CPW, CHUNK), jnp.int32),
        pltpu.VMEM((CHUNK, 16), jnp.float32),
        pltpu.VMEM((RCHUNK, 16), jnp.float32),
        pltpu.VMEM_SHARED((NP, 16), jnp.float32),
    ],
    compiler_params=pltpu.CompilerParams(use_tc_tiling_on_sc=False),
)
def _deg_kernel(dstp_hbm, ones_hbm, zeros_hbm, out_hbm, dst_v, ones_v, buf_v, acc_sh):
    cid = lax.axis_index("c")
    sid = lax.axis_index("s")
    w = cid * NS + sid

    pltpu.sync_copy(zeros_hbm, buf_v)
    for k in range(NCOPY):
        pltpu.sync_copy(buf_v, acc_sh.at[pl.ds(sid * RPS + k * RCHUNK, RCHUNK)])
    pltpu.sync_copy(ones_hbm, ones_v)
    pltpu.sync_copy(dstp_hbm.at[pl.ds(w * CPW, CPW)], dst_v)
    plsc.subcore_barrier()

    def body(j, carry):
        pltpu.sync_copy(ones_v, acc_sh.at[dst_v.at[j]], add=True)
        return carry

    lax.fori_loop(0, CPW, body, 0)
    plsc.subcore_barrier()

    for k in range(NCOPY):
        r0 = sid * RPS + k * RCHUNK
        pltpu.sync_copy(acc_sh.at[pl.ds(r0, RCHUNK)], buf_v)
        pltpu.sync_copy(buf_v, out_hbm.at[pl.ds(cid * NP + r0, RCHUNK)])


@functools.partial(
    pl.kernel,
    out_type=jax.ShapeDtypeStruct((NC * NP, DH), jnp.float32),
    mesh=_mesh,
    scratch_types=[
        pltpu.VMEM((CPS // 2, CHUNK), jnp.int32),
        pltpu.VMEM((CPS // 2, CHUNK), jnp.int32),
        pltpu.VMEM((CHUNK, DH // 2), jnp.int32),
        pltpu.VMEM((CHUNK, DH // 2), jnp.int32),
        pltpu.VMEM((CHUNK, DH), jnp.float32),
        pltpu.VMEM((CHUNK, DH), jnp.float32),
        pltpu.VMEM((RCHUNK, DH), jnp.float32),
        pltpu.VMEM((RCHUNK, DH // 2), jnp.int32),
        pltpu.VMEM_SHARED((NP, DH // 2), jnp.int32),
        pltpu.VMEM_SHARED((NP, DH), jnp.float32),
        pltpu.SemaphoreType.DMA,
        pltpu.SemaphoreType.DMA,
        pltpu.SemaphoreType.DMA,
        pltpu.SemaphoreType.DMA,
    ],
    compiler_params=pltpu.CompilerParams(use_tc_tiling_on_sc=False),
)
def _scatter_kernel(ysplit_hbm, srcp_hbm, dstp_hbm, zeros_hbm, out_hbm,
                    src_v, dst_v, g0_v, g1_v, f0_v, f1_v, buf_v, tstage_v,
                    tbl_sh, z_sh, gs0, gs1, ss0, ss1):
    cid = lax.axis_index("c")
    sid = lax.axis_index("s")

    pltpu.sync_copy(zeros_hbm, buf_v)
    for k in range(NCOPY):
        r0 = sid * RPS + k * RCHUNK
        pltpu.sync_copy(ysplit_hbm.at[pl.ds(cid * NP + r0, RCHUNK)], tstage_v)
        pltpu.sync_copy(tstage_v, tbl_sh.at[pl.ds(r0, RCHUNK)])
        pltpu.sync_copy(buf_v, z_sh.at[pl.ds(r0, RCHUNK)])
    plsc.subcore_barrier()

    bufs = ((g0_v, f0_v, gs0, ss0), (g1_v, f1_v, gs1, ss1))
    HCH = CPS // 2

    def convert(gbuf, fbuf):
        def crow(r, carry):
            for g in range(DH // 32):
                v = gbuf[r, pl.ds(16 * g, 16)]
                a = lax.bitcast_convert_type(v << 16, jnp.float32)
                b = lax.bitcast_convert_type(v & jnp.int32(-65536), jnp.float32)
                fbuf[r, pl.ds(32 * g, 16)] = a
                fbuf[r, pl.ds(32 * g + 16, 16)] = b
            return carry

        lax.fori_loop(0, CHUNK, crow, 0)

    def body(p, carry):
        for b, (gbuf, fbuf, gsem, ssem) in enumerate(bufs):
            j = 2 * p + b
            pltpu.make_async_copy(tbl_sh.at[src_v.at[j]], gbuf, gsem).wait()

            @pl.when(j >= 2)
            def _():
                pltpu.make_async_copy(fbuf, z_sh.at[dst_v.at[j]], ssem).wait()

            convert(gbuf, fbuf)
            pltpu.async_copy(fbuf, z_sh.at[dst_v.at[j]], ssem, add=True)
            nxt = j + 2

            @pl.when(nxt < HCH)
            def _():
                pltpu.async_copy(tbl_sh.at[src_v.at[nxt]], gbuf, gsem)

        return carry

    for half in range(2):
        pltpu.sync_copy(srcp_hbm.at[pl.ds(sid * CPS + half * HCH, HCH)], src_v)
        pltpu.sync_copy(dstp_hbm.at[pl.ds(sid * CPS + half * HCH, HCH)], dst_v)
        for b, (gbuf, fbuf, gsem, _) in enumerate(bufs):
            pltpu.async_copy(tbl_sh.at[src_v.at[b]], gbuf, gsem)
        lax.fori_loop(0, HCH // 2, body, 0)
        for b, (gbuf, fbuf, gsem, ssem) in enumerate(bufs):
            pltpu.make_async_copy(fbuf, z_sh.at[dst_v.at[HCH - 2 + b]],
                                  ssem).wait()
    plsc.subcore_barrier()

    for k in range(NCOPY):
        r0 = sid * RPS + k * RCHUNK
        pltpu.sync_copy(z_sh.at[pl.ds(r0, RCHUNK)], buf_v)
        pltpu.sync_copy(buf_v, out_hbm.at[pl.ds(cid * NP + r0, RCHUNK)])


_BLK = 512
_GRID = NP // _BLK


def _finish_body(za_ref, zb_ref, ya_ref, yb_ref, dinv_ref, wca_ref, wcb_ref,
                 bc_ref, wa_ref, ba_ref, out_ref):
    agg_a = (za_ref[...] + ya_ref[...]) * dinv_ref[...]
    agg_b = (zb_ref[...] + yb_ref[...]) * dinv_ref[...]
    h = (jnp.dot(agg_a, wca_ref[...], preferred_element_type=jnp.float32)
         + jnp.dot(agg_b, wcb_ref[...], preferred_element_type=jnp.float32))
    h = h + bc_ref[...]
    h = jnp.where(h > 0, h, 0.01 * h)
    logits = jnp.dot(h, wa_ref[...], preferred_element_type=jnp.float32)
    logits = logits + ba_ref[...]
    m = jnp.max(logits, axis=-1, keepdims=True)
    e = jnp.exp(logits - m)
    a = e / jnp.sum(e, axis=-1, keepdims=True)
    out_ref[...] = (h[:, 0:D] * a[:, 0:1] + h[:, D:2 * D] * a[:, 1:2]
                    + h[:, 2 * D:3 * D] * a[:, 2:3])


_finish = pl.pallas_call(
    _finish_body,
    grid=(_GRID,),
    in_specs=[
        pl.BlockSpec((_BLK, DH), lambda i: (i, 0)),
        pl.BlockSpec((_BLK, DH), lambda i: (i + _GRID, 0)),
        pl.BlockSpec((_BLK, DH), lambda i: (i, 0)),
        pl.BlockSpec((_BLK, DH), lambda i: (i + _GRID, 0)),
        pl.BlockSpec((_BLK, 1), lambda i: (i, 0)),
        pl.BlockSpec((DH, DO3), lambda i: (0, 0)),
        pl.BlockSpec((DH, DO3), lambda i: (0, 0)),
        pl.BlockSpec((1, DO3), lambda i: (0, 0)),
        pl.BlockSpec((DO3, 3), lambda i: (0, 0)),
        pl.BlockSpec((1, 3), lambda i: (0, 0)),
    ],
    out_specs=pl.BlockSpec((_BLK, D), lambda i: (i, 0)),
    out_shape=jax.ShapeDtypeStruct((N, D), jnp.float32),
)


def kernel(x, edge_index, W1, b1, W2, b2, W3, b3, Wa, ba):
    src = edge_index[0]
    dst = edge_index[1]
    pad = jnp.full((E_PAD - E,), N, dtype=jnp.int32)
    srcp = jnp.concatenate([src, pad])
    dstp = jnp.concatenate([dst, pad]).reshape(NW * CPW, CHUNK)

    ones16 = jnp.ones((CHUNK, 16), jnp.float32)
    zeros16 = jnp.zeros((RCHUNK, 16), jnp.float32)
    dego = _deg_kernel(dstp, ones16, zeros16)
    deg = dego[:NP, 0] + dego[NP:, 0] + 1.0
    dinv = lax.rsqrt(deg)

    xd = x * dinv[:N, None]
    ysplit = (jnp.zeros((NC * NP, DH), jnp.float32)
              .at[:N].set(xd[:, :DH]).at[NP:NP + N].set(xd[:, DH:]))
    srcp2 = srcp.reshape(NS * CPS, CHUNK)
    dstp2 = dstp.reshape(NS * CPS, CHUNK)
    zeros64 = jnp.zeros((RCHUNK, DH), jnp.float32)
    ybf = (ysplit.reshape(-1, DH // 32, 2, 16).transpose(0, 1, 3, 2)
           .reshape(-1, DH).astype(jnp.bfloat16))
    ypk = lax.bitcast_convert_type(ybf.reshape(-1, DH // 2, 2), jnp.int32)
    z = _scatter_kernel(ypk, srcp2, dstp2, zeros64)

    Wcat = jnp.concatenate([W1, W2, W3], axis=1)
    bcat = jnp.concatenate([b1, b2, b3]).reshape(1, DO3)
    return _finish(z, z, ysplit, ysplit, dinv[:, None], Wcat[:DH], Wcat[DH:],
                   bcat, Wa, ba.reshape(1, 3))

# --- scband reference (transcript-rebuilt; emitter-appended) ---
"""Pipeline reference for scband-multi-scale-gcn-17952963297749 (READ-ONLY COPY).

The authoritative reference and input builder live on the scoring server;
editing this copy changes nothing except your own understanding.
"""

import jax, jax.numpy as jnp
import numpy as np

N_NODES = 10000
N_EDGES = 320000
D_IN = 128
D_OUT = 128
N_SCALES = 3


def _gcn_conv(x, edge_index, W, b):
    # torch_geometric GCNConv: add self-loops, symmetric normalization, linear transform
    N = x.shape[0]
    src = edge_index[0]
    dst = edge_index[1]
    loop = jnp.arange(N, dtype=edge_index.dtype)
    src = jnp.concatenate([src, loop])
    dst = jnp.concatenate([dst, loop])
    xw = x @ W
    deg = jnp.zeros((N,), dtype=x.dtype).at[dst].add(1.0)
    dinv = 1.0 / jnp.sqrt(deg)
    norm = dinv[src] * dinv[dst]
    out = jnp.zeros((N, W.shape[1]), dtype=x.dtype).at[dst].add(xw[src] * norm[:, None])
    return out + b


def setup_inputs(seed: int = 0):
    key = jax.random.key(seed)
    ks = jax.random.split(key, 12)
    x = jax.random.normal(ks[0], (N_NODES, D_IN), dtype=jnp.float32)
    edge_index = jax.random.randint(ks[1], (2, N_EDGES), 0, N_NODES, dtype=jnp.int32)
    s_in = 1.0 / np.sqrt(D_IN)
    W1 = jax.random.normal(ks[2], (D_IN, D_OUT), dtype=jnp.float32) * s_in
    b1 = jax.random.normal(ks[3], (D_OUT,), dtype=jnp.float32) * 0.01
    W2 = jax.random.normal(ks[4], (D_IN, D_OUT), dtype=jnp.float32) * s_in
    b2 = jax.random.normal(ks[5], (D_OUT,), dtype=jnp.float32) * 0.01
    W3 = jax.random.normal(ks[6], (D_IN, D_OUT), dtype=jnp.float32) * s_in
    b3 = jax.random.normal(ks[7], (D_OUT,), dtype=jnp.float32) * 0.01
    Wa = jax.random.normal(ks[8], (D_OUT * N_SCALES, N_SCALES), dtype=jnp.float32) * (1.0 / np.sqrt(D_OUT * N_SCALES))
    ba = jax.random.normal(ks[9], (N_SCALES,), dtype=jnp.float32) * 0.01
    return {"x": x, "edge_index": edge_index, "W1": W1, "b1": b1, "W2": W2, "b2": b2, "W3": W3, "b3": b3, "Wa": Wa, "ba": ba}


def reference(x, edge_index, W1, b1, W2, b2, W3, b3, Wa, ba):
    # scales = [1, 1, 1] -> the dense matrix_power branch is never taken
    outs = []
    for W, b in ((W1, b1), (W2, b2), (W3, b3)):
        outs.append(jax.nn.leaky_relu(_gcn_conv(x, edge_index, W, b), negative_slope=0.01))
    h = jnp.concatenate(outs, axis=-1)
    attn = jax.nn.softmax(h @ Wa + ba, axis=-1)
    h = sum(outs[i] * attn[:, i][:, None] for i in range(N_SCALES))
    # residual is None since in_dim == out_dim
    return h

if __name__ == "__main__":
    import jax
    _d = setup_inputs()
    print(jax.jit(kernel)(*tuple(_d.values())))

</pallas_src>

<mosaic_0001>
#map = affine_map<(d0, d1) -> (0, 0)>
module attributes {stable_mosaic.version = 14 : i64} {
  func.func @_deg_kernel(%arg0: i32, %arg1: i32, %arg2: memref<2560x128xi32, #tpu.memory_space<hbm>>, %arg3: memref<128x16xf32, #tpu.memory_space<hbm>>, %arg4: memref<128x16xf32, #tpu.memory_space<hbm>>, %arg5: memref<20480x16xf32, #tpu.memory_space<hbm>>, %arg6: memref<80x128xi32, #tpu.memory_space<vmem>>, %arg7: memref<128x16xf32, #tpu.memory_space<vmem>>, %arg8: memref<128x16xf32, #tpu.memory_space<vmem>>, %arg9: memref<10240x16xf32, #tpu.memory_space<vmem_shared>>) attributes {dimension_semantics = [#tpu.dimension_semantics<core_parallel>, #tpu.dimension_semantics<subcore_parallel>], iteration_bounds = array<i64: 2, 16>, scalar_prefetch = 0 : i64, scratch_operands = 4 : i64, tpu.core_type = #tpu.core_type<sc_vector_subcore>, window_params = [{transform_indices = #map}, {transform_indices = #map}, {transform_indices = #map}, {transform_indices = #map}]} {
    %mul3A = arith.constant 16 : i32
    %mul3A_0 = arith.muli %arg0, %mul3A : i32
    %add3A = arith.addi %mul3A_0, %arg1 : i32
    "tpu.region"() ({
      %run_scoped3A = tpu.sem_alloc : memref<!tpu.dma_semaphore, #tpu.memory_space<semaphore_mem>>
      tpu.enqueue_dma source(%arg4 : memref<128x16xf32, #tpu.memory_space<hbm>>) target(%arg8 : memref<128x16xf32, #tpu.memory_space<vmem>>) target_semaphore(%run_scoped3A : memref<!tpu.dma_semaphore, #tpu.memory_space<semaphore_mem>>)
      tpu.wait_dma2 semaphore(%run_scoped3A : memref<!tpu.dma_semaphore, #tpu.memory_space<semaphore_mem>>) src(%arg4 : memref<128x16xf32, #tpu.memory_space<hbm>>) dst(%arg8 : memref<128x16xf32, #tpu.memory_space<vmem>>)
      tpu.yield
    }) : () -> ()
    %mul3A_1 = arith.constant 640 : i32
    %mul3A_2 = arith.muli %arg1, %mul3A_1 : i32
    %add3A_3 = arith.constant 0 : i32
    %add3A_4 = arith.addi %mul3A_2, %add3A_3 : i32
    "tpu.region"() ({
      %run_scoped3A = tpu.sem_alloc : memref<!tpu.dma_semaphore, #tpu.memory_space<semaphore_mem>>
      %dma_start3A = arith.constant 0 : i32
      %dma_start3A_64 = tpu.memref_slice %arg9[%add3A_4, %dma_start3A] : memref<10240x16xf32, #tpu.memory_space<vmem_shared>> -> memref<128x16xf32, #tpu.memory_space<vmem_shared>>
      %dma_start3A_65 = arith.constant 0 : i32
      %dma_start3A_66 = tpu.memref_slice %arg9[%add3A_4, %dma_start3A_65] : memref<10240x16xf32, #tpu.memory_space<vmem_shared>> -> memref<128x16xf32, #tpu.memory_space<vmem_shared>>
      tpu.enqueue_dma source(%arg8 : memref<128x16xf32, #tpu.memory_space<vmem>>) target(%dma_start3A_66 : memref<128x16xf32, #tpu.memory_space<vmem_shared>>) target_semaphore(%run_scoped3A : memref<!tpu.dma_semaphore, #tpu.memory_space<semaphore_mem>>)
      %dma_wait3A = arith.constant 0 : i32
      %dma_wait3A_67 = tpu.memref_slice %arg9[%add3A_4, %dma_wait3A] : memref<10240x16xf32, #tpu.memory_space<vmem_shared>> -> memref<128x16xf32, #tpu.memory_space<vmem_shared>>
      %dma_wait3A_68 = arith.constant 0 : i32
      %dma_wait3A_69 = tpu.memref_slice %arg9[%add3A_4, %dma_wait3A_68] : memref<10240x16xf32, #tpu.memory_space<vmem_shared>> -> memref<128x16xf32, #tpu.memory_space<vmem_shared>>
      tpu.wait_dma2 semaphore(%run_scoped3A : memref<!tpu.dma_semaphore, #tpu.memory_space<semaphore_mem>>) src(%arg8 : memref<128x16xf32, #tpu.memory_space<vmem>>) dst(%dma_wait3A_69 : memref<128x16xf32, #tpu.memory_space<vmem_shared>>)
      tpu.yield
    }) : () -> ()
    %mul3A_5 = arith.constant 640 : i32
    %mul3A_6 = arith.muli %arg1, %mul3A_5 : i32
    %add3A_7 = arith.constant 128 : i32
    %add3A_8 = arith.addi %mul3A_6, %add3A_7 : i32
    "tpu.region"() ({
      %run_scoped3A = tpu.sem_alloc : memref<!tpu.dma_semaphore, #tpu.memory_space<semaphore_mem>>
      %dma_start3A = arith.constant 0 : i32
      %dma_start3A_64 = tpu.memref_slice %arg9[%add3A_8, %dma_start3A] : memref<10240x16xf32, #tpu.memory_space<vmem_shared>> -> memref<128x16xf32, #tpu.memory_space<vmem_shared>>
      %dma_start3A_65 = arith.constant 0 : i32
      %dma_start3A_66 = tpu.memref_slice %arg9[%add3A_8, %dma_start3A_65] : memref<10240x16xf32, #tpu.memory_space<vmem_shared>> -> memref<128x16xf32, #tpu.memory_space<vmem_shared>>
      tpu.enqueue_dma source(%arg8 : memref<128x16xf32, #tpu.memory_space<vmem>>) target(%dma_start3A_66 : memref<128x16xf32, #tpu.memory_space<vmem_shared>>) target_semaphore(%run_scoped3A : memref<!tpu.dma_semaphore, #tpu.memory_space<semaphore_mem>>)
      %dma_wait3A = arith.constant 0 : i32
      %dma_wait3A_67 = tpu.memref_slice %arg9[%add3A_8, %dma_wait3A] : memref<10240x16xf32, #tpu.memory_space<vmem_shared>> -> memref<128x16xf32, #tpu.memory_space<vmem_shared>>
      %dma_wait3A_68 = arith.constant 0 : i32
      %dma_wait3A_69 = tpu.memref_slice %arg9[%add3A_8, %dma_wait3A_68] : memref<10240x16xf32, #tpu.memory_space<vmem_shared>> -> memref<128x16xf32, #tpu.memory_space<vmem_shared>>
      tpu.wait_dma2 semaphore(%run_scoped3A : memref<!tpu.dma_semaphore, #tpu.memory_space<semaphore_mem>>) src(%arg8 : memref<128x16xf32, #tpu.memory_space<vmem>>) dst(%dma_wait3A_69 : memref<128x16xf32, #tpu.memory_space<vmem_shared>>)
      tpu.yield
    }) : () -> ()
    %mul3A_9 = arith.constant 640 : i32
    %mul3A_10 = arith.muli %arg1, %mul3A_9 : i32
    %add3A_11 = arith.constant 256 : i32
    %add3A_12 = arith.addi %mul3A_10, %add3A_11 : i32
    "tpu.region"() ({
      %run_scoped3A = tpu.sem_alloc : memref<!tpu.dma_semaphore, #tpu.memory_space<semaphore_mem>>
      %dma_start3A = arith.constant 0 : i32
      %dma_start3A_64 = tpu.memref_slice %arg9[%add3A_12, %dma_start3A] : memref<10240x16xf32, #tpu.memory_space<vmem_shared>> -> memref<128x16xf32, #tpu.memory_space<vmem_shared>>
      %dma_start3A_65 = arith.constant 0 : i32
      %dma_start3A_66 = tpu.memref_slice %arg9[%add3A_12, %dma_start3A_65] : memref<10240x16xf32, #tpu.memory_space<vmem_shared>> -> memref<128x16xf32, #tpu.memory_space<vmem_shared>>
      tpu.enqueue_dma source(%arg8 : memref<128x16xf32, #tpu.memory_space<vmem>>) target(%dma_start3A_66 : memref<128x16xf32, #tpu.memory_space<vmem_shared>>) target_semaphore(%run_scoped3A : memref<!tpu.dma_semaphore, #tpu.memory_space<semaphore_mem>>)
      %dma_wait3A = arith.constant 0 : i32
      %dma_wait3A_67 = tpu.memref_slice %arg9[%add3A_12, %dma_wait3A] : memref<10240x16xf32, #tpu.memory_space<vmem_shared>> -> memref<128x16xf32, #tpu.memory_space<vmem_shared>>
      %dma_wait3A_68 = arith.constant 0 : i32
      %dma_wait3A_69 = tpu.memref_slice %arg9[%add3A_12, %dma_wait3A_68] : memref<10240x16xf32, #tpu.memory_space<vmem_shared>> -> memref<128x16xf32, #tpu.memory_space<vmem_shared>>
      tpu.wait_dma2 semaphore(%run_scoped3A : memref<!tpu.dma_semaphore, #tpu.memory_space<semaphore_mem>>) src(%arg8 : memref<128x16xf32, #tpu.memory_space<vmem>>) dst(%dma_wait3A_69 : memref<128x16xf32, #tpu.memory_space<vmem_shared>>)
      tpu.yield
    }) : () -> ()
    %mul3A_13 = arith.constant 640 : i32
    %mul3A_14 = arith.muli %arg1, %mul3A_13 : i32
    %add3A_15 = arith.constant 384 : i32
    %add3A_16 = arith.addi %mul3A_14, %add3A_15 : i32
    "tpu.region"() ({
      %run_scoped3A = tpu.sem_alloc : memref<!tpu.dma_semaphore, #tpu.memory_space<semaphore_mem>>
      %dma_start3A = arith.constant 0 : i32
      %dma_start3A_64 = tpu.memref_slice %arg9[%add3A_16, %dma_start3A] : memref<10240x16xf32, #tpu.memory_space<vmem_shared>> -> memref<128x16xf32, #tpu.memory_space<vmem_shared>>
      %dma_start3A_65 = arith.constant 0 : i32
      %dma_start3A_66 = tpu.memref_slice %arg9[%add3A_16, %dma_start3A_65] : memref<10240x16xf32, #tpu.memory_space<vmem_shared>> -> memref<128x16xf32, #tpu.memory_space<vmem_shared>>
      tpu.enqueue_dma source(%arg8 : memref<128x16xf32, #tpu.memory_space<vmem>>) target(%dma_start3A_66 : memref<128x16xf32, #tpu.memory_space<vmem_shared>>) target_semaphore(%run_scoped3A : memref<!tpu.dma_semaphore, #tpu.memory_space<semaphore_mem>>)
      %dma_wait3A = arith.constant 0 : i32
      %dma_wait3A_67 = tpu.memref_slice %arg9[%add3A_16, %dma_wait3A] : memref<10240x16xf32, #tpu.memory_space<vmem_shared>> -> memref<128x16xf32, #tpu.memory_space<vmem_shared>>
      %dma_wait3A_68 = arith.constant 0 : i32
      %dma_wait3A_69 = tpu.memref_slice %arg9[%add3A_16, %dma_wait3A_68] : memref<10240x16xf32, #tpu.memory_space<vmem_shared>> -> memref<128x16xf32, #tpu.memory_space<vmem_shared>>
      tpu.wait_dma2 semaphore(%run_scoped3A : memref<!tpu.dma_semaphore, #tpu.memory_space<semaphore_mem>>) src(%arg8 : memref<128x16xf32, #tpu.memory_space<vmem>>) dst(%dma_wait3A_69 : memref<128x16xf32, #tpu.memory_space<vmem_shared>>)
      tpu.yield
    }) : () -> ()
    %mul3A_17 = arith.constant 640 : i32
    %mul3A_18 = arith.muli %arg1, %mul3A_17 : i32
    %add3A_19 = arith.constant 512 : i32
    %add3A_20 = arith.addi %mul3A_18, %add3A_19 : i32
    "tpu.region"() ({
      %run_scoped3A = tpu.sem_alloc : memref<!tpu.dma_semaphore, #tpu.memory_space<semaphore_mem>>
      %dma_start3A = arith.constant 0 : i32
      %dma_start3A_64 = tpu.memref_slice %arg9[%add3A_20, %dma_start3A] : memref<10240x16xf32, #tpu.memory_space<vmem_shared>> -> memref<128x16xf32, #tpu.memory_space<vmem_shared>>
      %dma_start3A_65 = arith.constant 0 : i32
      %dma_start3A_66 = tpu.memref_slice %arg9[%add3A_20, %dma_start3A_65] : memref<10240x16xf32, #tpu.memory_space<vmem_shared>> -> memref<128x16xf32, #tpu.memory_space<vmem_shared>>
      tpu.enqueue_dma source(%arg8 : memref<128x16xf32, #tpu.memory_space<vmem>>) target(%dma_start3A_66 : memref<128x16xf32, #tpu.memory_space<vmem_shared>>) target_semaphore(%run_scoped3A : memref<!tpu.dma_semaphore, #tpu.memory_space<semaphore_mem>>)
      %dma_wait3A = arith.constant 0 : i32
      %dma_wait3A_67 = tpu.memref_slice %arg9[%add3A_20, %dma_wait3A] : memref<10240x16xf32, #tpu.memory_space<vmem_shared>> -> memref<128x16xf32, #tpu.memory_space<vmem_shared>>
      %dma_wait3A_68 = arith.constant 0 : i32
      %dma_wait3A_69 = tpu.memref_slice %arg9[%add3A_20, %dma_wait3A_68] : memref<10240x16xf32, #tpu.memory_space<vmem_shared>> -> memref<128x16xf32, #tpu.memory_space<vmem_shared>>
      tpu.wait_dma2 semaphore(%run_scoped3A : memref<!tpu.dma_semaphore, #tpu.memory_space<semaphore_mem>>) src(%arg8 : memref<128x16xf32, #tpu.memory_space<vmem>>) dst(%dma_wait3A_69 : memref<128x16xf32, #tpu.memory_space<vmem_shared>>)
      tpu.yield
    }) : () -> ()
    "tpu.region"() ({
      %run_scoped3A = tpu.sem_alloc : memref<!tpu.dma_semaphore, #tpu.memory_space<semaphore_mem>>
      tpu.enqueue_dma source(%arg3 : memref<128x16xf32, #tpu.memory_space<hbm>>) target(%arg7 : memref<128x16xf32, #tpu.memory_space<vmem>>) target_semaphore(%run_scoped3A : memref<!tpu.dma_semaphore, #tpu.memory_space<semaphore_mem>>)
      tpu.wait_dma2 semaphore(%run_scoped3A : memref<!tpu.dma_semaphore, #tpu.memory_space<semaphore_mem>>) src(%arg3 : memref<128x16xf32, #tpu.memory_space<hbm>>) dst(%arg7 : memref<128x16xf32, #tpu.memory_space<vmem>>)
      tpu.yield
    }) : () -> ()
    %mul3A_21 = arith.constant 80 : i32
    %mul3A_22 = arith.muli %add3A, %mul3A_21 : i32
    "tpu.region"() ({
      %run_scoped3A = tpu.sem_alloc : memref<!tpu.dma_semaphore, #tpu.memory_space<semaphore_mem>>
      %dma_start3A = arith.constant 0 : i32
      %dma_start3A_64 = tpu.memref_slice %arg2[%mul3A_22, %dma_start3A] : memref<2560x128xi32, #tpu.memory_space<hbm>> -> memref<80x128xi32, #tpu.memory_space<hbm>>
      %dma_start3A_65 = arith.constant 0 : i32
      %dma_start3A_66 = tpu.memref_slice %arg2[%mul3A_22, %dma_start3A_65] : memref<2560x128xi32, #tpu.memory_space<hbm>> -> memref<80x128xi32, #tpu.memory_space<hbm>>
      tpu.enqueue_dma source(%dma_start3A_66 : memref<80x128xi32, #tpu.memory_space<hbm>>) target(%arg6 : memref<80x128xi32, #tpu.memory_space<vmem>>) target_semaphore(%run_scoped3A : memref<!tpu.dma_semaphore, #tpu.memory_space<semaphore_mem>>)
      %dma_wait3A = arith.constant 0 : i32
      %dma_wait3A_67 = tpu.memref_slice %arg2[%mul3A_22, %dma_wait3A] : memref<2560x128xi32, #tpu.memory_space<hbm>> -> memref<80x128xi32, #tpu.memory_space<hbm>>
      %dma_wait3A_68 = arith.constant 0 : i32
      %dma_wait3A_69 = tpu.memref_slice %arg2[%mul3A_22, %dma_wait3A_68] : memref<2560x128xi32, #tpu.memory_space<hbm>> -> memref<80x128xi32, #tpu.memory_space<hbm>>
      tpu.wait_dma2 semaphore(%run_scoped3A : memref<!tpu.dma_semaphore, #tpu.memory_space<semaphore_mem>>) src(%dma_wait3A_69 : memref<80x128xi32, #tpu.memory_space<hbm>>) dst(%arg6 : memref<80x128xi32, #tpu.memory_space<vmem>>)
      tpu.yield
    }) : () -> ()
    %barrier3A = arith.constant 0 : index
    tpu.barrier barrier_id(%barrier3A)
    %scan3A = arith.constant 0 : i32
    %scan3A_23 = arith.constant 0 : i32
    %scan3A_24 = arith.constant 80 : i32
    %scan3A_25 = arith.addi %scan3A_23, %scan3A_24 : i32
    %scan3A_26 = arith.constant 1 : i32
    scf.for %scan3A_64 = %scan3A_23 to %scan3A_25 step %scan3A_26  : i32 {
      "tpu.region"() ({
        %run_scoped3A = tpu.sem_alloc : memref<!tpu.dma_semaphore, #tpu.memory_space<semaphore_mem>>
        %dma_start3A = arith.constant 0 : i32
        %dma_start3A_65 = tpu.memref_slice %arg6[%scan3A_64, %dma_start3A] : memref<80x128xi32, #tpu.memory_space<vmem>> -> memref<1x128xi32, #tpu.memory_space<vmem>>
        %dma_start3A_66 = tpu.memref_squeeze %dma_start3A_65 : memref<1x128xi32, #tpu.memory_space<vmem>> -> memref<128xi32, #tpu.memory_space<vmem>>
        %dma_start3A_67 = arith.constant 0 : i32
        %dma_start3A_68 = arith.constant 0 : i32
        %dma_start3A_69 = tpu.memref_slice %arg9[%dma_start3A_67, %dma_start3A_68] : memref<10240x16xf32, #tpu.memory_space<vmem_shared>> -> memref<10240x16xf32, #tpu.memory_space<vmem_shared>>
        tpu.enqueue_indirect_dma source(%arg7 : memref<128x16xf32, #tpu.memory_space<vmem>>) target(%dma_start3A_69 : memref<10240x16xf32, #tpu.memory_space<vmem_shared>>) offsets(%dma_start3A_66 : memref<128xi32, #tpu.memory_space<vmem>>) semaphore(%run_scoped3A : memref<!tpu.dma_semaphore, #tpu.memory_space<semaphore_mem>>) {add = true}
        %dma_wait3A = arith.constant 0 : i32
        %dma_wait3A_70 = tpu.memref_slice %arg6[%scan3A_64, %dma_wait3A] : memref<80x128xi32, #tpu.memory_space<vmem>> -> memref<1x128xi32, #tpu.memory_space<vmem>>
        %dma_wait3A_71 = tpu.memref_squeeze %dma_wait3A_70 : memref<1x128xi32, #tpu.memory_space<vmem>> -> memref<128xi32, #tpu.memory_space<vmem>>
        %dma_wait3A_72 = arith.constant 0 : i32
        %dma_wait3A_73 = arith.constant 0 : i32
        %dma_wait3A_74 = tpu.memref_slice %arg9[%dma_wait3A_72, %dma_wait3A_73] : memref<10240x16xf32, #tpu.memory_space<vmem_shared>> -> memref<10240x16xf32, #tpu.memory_space<vmem_shared>>
        tpu.wait_indirect_dma semaphore(%run_scoped3A : memref<!tpu.dma_semaphore, #tpu.memory_space<semaphore_mem>>) src(%arg7 : memref<128x16xf32, #tpu.memory_space<vmem>>) dst(%dma_wait3A_74 : memref<10240x16xf32, #tpu.memory_space<vmem_shared>>)
        tpu.yield
      }) : () -> ()
    }
    %scan3A_27 = arith.constant 80 : i32
    %barrier3A_28 = arith.constant 0 : index
    tpu.barrier barrier_id(%barrier3A_28)
    %mul3A_29 = arith.constant 640 : i32
    %mul3A_30 = arith.muli %arg1, %mul3A_29 : i32
    %add3A_31 = arith.constant 0 : i32
    %add3A_32 = arith.addi %mul3A_30, %add3A_31 : i32
    "tpu.region"() ({
      %run_scoped3A = tpu.sem_alloc : memref<!tpu.dma_semaphore, #tpu.memory_space<semaphore_mem>>
      %dma_start3A = arith.constant 0 : i32
      %dma_start3A_64 = tpu.memref_slice %arg9[%add3A_32, %dma_start3A] : memref<10240x16xf32, #tpu.memory_space<vmem_shared>> -> memref<128x16xf32, #tpu.memory_space<vmem_shared>>
      %dma_start3A_65 = arith.constant 0 : i32
      %dma_start3A_66 = tpu.memref_slice %arg9[%add3A_32, %dma_start3A_65] : memref<10240x16xf32, #tpu.memory_space<vmem_shared>> -> memref<128x16xf32, #tpu.memory_space<vmem_shared>>
      tpu.enqueue_dma source(%dma_start3A_66 : memref<128x16xf32, #tpu.memory_space<vmem_shared>>) target(%arg8 : memref<128x16xf32, #tpu.memory_space<vmem>>) target_semaphore(%run_scoped3A : memref<!tpu.dma_semaphore, #tpu.memory_space<semaphore_mem>>)
      %dma_wait3A = arith.constant 0 : i32
      %dma_wait3A_67 = tpu.memref_slice %arg9[%add3A_32, %dma_wait3A] : memref<10240x16xf32, #tpu.memory_space<vmem_shared>> -> memref<128x16xf32, #tpu.memory_space<vmem_shared>>
      %dma_wait3A_68 = arith.constant 0 : i32
      %dma_wait3A_69 = tpu.memref_slice %arg9[%add3A_32, %dma_wait3A_68] : memref<10240x16xf32, #tpu.memory_space<vmem_shared>> -> memref<128x16xf32, #tpu.memory_space<vmem_shared>>
      tpu.wait_dma2 semaphore(%run_scoped3A : memref<!tpu.dma_semaphore, #tpu.memory_space<semaphore_mem>>) src(%dma_wait3A_69 : memref<128x16xf32, #tpu.memory_space<vmem_shared>>) dst(%arg8 : memref<128x16xf32, #tpu.memory_space<vmem>>)
      tpu.yield
    }) : () -> ()
    %mul3A_33 = arith.constant 10240 : i32
    %mul3A_34 = arith.muli %arg0, %mul3A_33 : i32
    %add3A_35 = arith.addi %mul3A_34, %add3A_32 : i32
    "tpu.region"() ({
      %run_scoped3A = tpu.sem_alloc : memref<!tpu.dma_semaphore, #tpu.memory_space<semaphore_mem>>
      %dma_start3A = arith.constant 0 : i32
      %dma_start3A_64 = tpu.memref_slice %arg5[%add3A_35, %dma_start3A] : memref<20480x16xf32, #tpu.memory_space<hbm>> -> memref<128x16xf32, #tpu.memory_space<hbm>>
      %dma_start3A_65 = arith.constant 0 : i32
      %dma_start3A_66 = tpu.memref_slice %arg5[%add3A_35, %dma_start3A_65] : memref<20480x16xf32, #tpu.memory_space<hbm>> -> memref<128x16xf32, #tpu.memory_space<hbm>>
      tpu.enqueue_dma source(%arg8 : memref<128x16xf32, #tpu.memory_space<vmem>>) target(%dma_start3A_66 : memref<128x16xf32, #tpu.memory_space<hbm>>) target_semaphore(%run_scoped3A : memref<!tpu.dma_semaphore, #tpu.memory_space<semaphore_mem>>)
      %dma_wait3A = arith.constant 0 : i32
      %dma_wait3A_67 = tpu.memref_slice %arg5[%add3A_35, %dma_wait3A] : memref<20480x16xf32, #tpu.memory_space<hbm>> -> memref<128x16xf32, #tpu.memory_space<hbm>>
      %dma_wait3A_68 = arith.constant 0 : i32
      %dma_wait3A_69 = tpu.memref_slice %arg5[%add3A_35, %dma_wait3A_68] : memref<20480x16xf32, #tpu.memory_space<hbm>> -> memref<128x16xf32, #tpu.memory_space<hbm>>
      tpu.wait_dma2 semaphore(%run_scoped3A : memref<!tpu.dma_semaphore, #tpu.memory_space<semaphore_mem>>) src(%arg8 : memref<128x16xf32, #tpu.memory_space<vmem>>) dst(%dma_wait3A_69 : memref<128x16xf32, #tpu.memory_space<hbm>>)
      tpu.yield
    }) : () -> ()
    %mul3A_36 = arith.constant 640 : i32
    %mul3A_37 = arith.muli %arg1, %mul3A_36 : i32
    %add3A_38 = arith.constant 128 : i32
    %add3A_39 = arith.addi %mul3A_37, %add3A_38 : i32
    "tpu.region"() ({
      %run_scoped3A = tpu.sem_alloc : memref<!tpu.dma_semaphore, #tpu.memory_space<semaphore_mem>>
      %dma_start3A = arith.constant 0 : i32
      %dma_start3A_64 = tpu.memref_slice %arg9[%add3A_39, %dma_start3A] : memref<10240x16xf32, #tpu.memory_space<vmem_shared>> -> memref<128x16xf32, #tpu.memory_space<vmem_shared>>
      %dma_start3A_65 = arith.constant 0 : i32
      %dma_start3A_66 = tpu.memref_slice %arg9[%add3A_39, %dma_start3A_65] : memref<10240x16xf32, #tpu.memory_space<vmem_shared>> -> memref<128x16xf32, #tpu.memory_space<vmem_shared>>
      tpu.enqueue_dma source(%dma_start3A_66 : memref<128x16xf32, #tpu.memory_space<vmem_shared>>) target(%arg8 : memref<128x16xf32, #tpu.memory_space<vmem>>) target_semaphore(%run_scoped3A : memref<!tpu.dma_semaphore, #tpu.memory_space<semaphore_mem>>)
      %dma_wait3A = arith.constant 0 : i32
      %dma_wait3A_67 = tpu.memref_slice %arg9[%add3A_39, %dma_wait3A] : memref<10240x16xf32, #tpu.memory_space<vmem_shared>> -> memref<128x16xf32, #tpu.memory_space<vmem_shared>>
      %dma_wait3A_68 = arith.constant 0 : i32
      %dma_wait3A_69 = tpu.memref_slice %arg9[%add3A_39, %dma_wait3A_68] : memref<10240x16xf32, #tpu.memory_space<vmem_shared>> -> memref<128x16xf32, #tpu.memory_space<vmem_shared>>
      tpu.wait_dma2 semaphore(%run_scoped3A : memref<!tpu.dma_semaphore, #tpu.memory_space<semaphore_mem>>) src(%dma_wait3A_69 : memref<128x16xf32, #tpu.memory_space<vmem_shared>>) dst(%arg8 : memref<128x16xf32, #tpu.memory_space<vmem>>)
      tpu.yield
    }) : () -> ()
    %mul3A_40 = arith.constant 10240 : i32
    %mul3A_41 = arith.muli %arg0, %mul3A_40 : i32
    %add3A_42 = arith.addi %mul3A_41, %add3A_39 : i32
    "tpu.region"() ({
      %run_scoped3A = tpu.sem_alloc : memref<!tpu.dma_semaphore, #tpu.memory_space<semaphore_mem>>
      %dma_start3A = arith.constant 0 : i32
      %dma_start3A_64 = tpu.memref_slice %arg5[%add3A_42, %dma_start3A] : memref<20480x16xf32, #tpu.memory_space<hbm>> -> memref<128x16xf32, #tpu.memory_space<hbm>>
      %dma_start3A_65 = arith.constant 0 : i32
      %dma_start3A_66 = tpu.memref_slice %arg5[%add3A_42, %dma_start3A_65] : memref<20480x16xf32, #tpu.memory_space<hbm>> -> memref<128x16xf32, #tpu.memory_space<hbm>>
      tpu.enqueue_dma source(%arg8 : memref<128x16xf32, #tpu.memory_space<vmem>>) target(%dma_start3A_66 : memref<128x16xf32, #tpu.memory_space<hbm>>) target_semaphore(%run_scoped3A : memref<!tpu.dma_semaphore, #tpu.memory_space<semaphore_mem>>)
      %dma_wait3A = arith.constant 0 : i32
      %dma_wait3A_67 = tpu.memref_slice %arg5[%add3A_42, %dma_wait3A] : memref<20480x16xf32, #tpu.memory_space<hbm>> -> memref<128x16xf32, #tpu.memory_space<hbm>>
      %dma_wait3A_68 = arith.constant 0 : i32
      %dma_wait3A_69 = tpu.memref_slice %arg5[%add3A_42, %dma_wait3A_68] : memref<20480x16xf32, #tpu.memory_space<hbm>> -> memref<128x16xf32, #tpu.memory_space<hbm>>
      tpu.wait_dma2 semaphore(%run_scoped3A : memref<!tpu.dma_semaphore, #tpu.memory_space<semaphore_mem>>) src(%arg8 : memref<128x16xf32, #tpu.memory_space<vmem>>) dst(%dma_wait3A_69 : memref<128x16xf32, #tpu.memory_space<hbm>>)
      tpu.yield
    }) : () -> ()
    %mul3A_43 = arith.constant 640 : i32
    %mul3A_44 = arith.muli %arg1, %mul3A_43 : i32
    %add3A_45 = arith.constant 256 : i32
    %add3A_46 = arith.addi %mul3A_44, %add3A_45 : i32
    "tpu.region"() ({
      %run_scoped3A = tpu.sem_alloc : memref<!tpu.dma_semaphore, #tpu.memory_space<semaphore_mem>>
      %dma_start3A = arith.constant 0 : i32
      %dma_start3A_64 = tpu.memref_slice %arg9[%add3A_46, %dma_start3A] : memref<10240x16xf32, #tpu.memory_space<vmem_shared>> -> memref<128x16xf32, #tpu.memory_space<vmem_shared>>
      %dma_start3A_65 = arith.constant 0 : i32
      %dma_start3A_66 = tpu.memref_slice %arg9[%add3A_46, %dma_start3A_65] : memref<10240x16xf32, #tpu.memory_space<vmem_shared>> -> memref<128x16xf32, #tpu.memory_space<vmem_shared>>
      tpu.enqueue_dma source(%dma_start3A_66 : memref<128x16xf32, #tpu.memory_space<vmem_shared>>) target(%arg8 : memref<128x16xf32, #tpu.memory_space<vmem>>) target_semaphore(%run_scoped3A : memref<!tpu.dma_semaphore, #tpu.memory_space<semaphore_mem>>)
      %dma_wait3A = arith.constant 0 : i32
      %dma_wait3A_67 = tpu.memref_slice %arg9[%add3A_46, %dma_wait3A] : memref<10240x16xf32, #tpu.memory_space<vmem_shared>> -> memref<128x16xf32, #tpu.memory_space<vmem_shared>>
      %dma_wait3A_68 = arith.constant 0 : i32
      %dma_wait3A_69 = tpu.memref_slice %arg9[%add3A_46, %dma_wait3A_68] : memref<10240x16xf32, #tpu.memory_space<vmem_shared>> -> memref<128x16xf32, #tpu.memory_space<vmem_shared>>
      tpu.wait_dma2 semaphore(%run_scoped3A : memref<!tpu.dma_semaphore, #tpu.memory_space<semaphore_mem>>) src(%dma_wait3A_69 : memref<128x16xf32, #tpu.memory_space<vmem_shared>>) dst(%arg8 : memref<128x16xf32, #tpu.memory_space<vmem>>)
      tpu.yield
    }) : () -> ()
    %mul3A_47 = arith.constant 10240 : i32
    %mul3A_48 = arith.muli %arg0, %mul3A_47 : i32
    %add3A_49 = arith.addi %mul3A_48, %add3A_46 : i32
    "tpu.region"() ({
      %run_scoped3A = tpu.sem_alloc : memref<!tpu.dma_semaphore, #tpu.memory_space<semaphore_mem>>
      %dma_start3A = arith.constant 0 : i32
      %dma_start3A_64 = tpu.memref_slice %arg5[%add3A_49, %dma_start3A] : memref<20480x16xf32, #tpu.memory_space<hbm>> -> memref<128x16xf32, #tpu.memory_space<hbm>>
      %dma_start3A_65 = arith.constant 0 : i32
      %dma_start3A_66 = tpu.memref_slice %arg5[%add3A_49, %dma_start3A_65] : memref<20480x16xf32, #tpu.memory_space<hbm>> -> memref<128x16xf32, #tpu.memory_space<hbm>>
      tpu.enqueue_dma source(%arg8 : memref<128x16xf32, #tpu.memory_space<vmem>>) target(%dma_start3A_66 : memref<128x16xf32, #tpu.memory_space<hbm>>) target_semaphore(%run_scoped3A : memref<!tpu.dma_semaphore, #tpu.memory_space<semaphore_mem>>)
      %dma_wait3A = arith.constant 0 : i32
      %dma_wait3A_67 = tpu.memref_slice %arg5[%add3A_49, %dma_wait3A] : memref<20480x16xf32, #tpu.memory_space<hbm>> -> memref<128x16xf32, #tpu.memory_space<hbm>>
      %dma_wait3A_68 = arith.constant 0 : i32
      %dma_wait3A_69 = tpu.memref_slice %arg5[%add3A_49, %dma_wait3A_68] : memref<20480x16xf32, #tpu.memory_space<hbm>> -> memref<128x16xf32, #tpu.memory_space<hbm>>
      tpu.wait_dma2 semaphore(%run_scoped3A : memref<!tpu.dma_semaphore, #tpu.memory_space<semaphore_mem>>) src(%arg8 : memref<128x16xf32, #tpu.memory_space<vmem>>) dst(%dma_wait3A_69 : memref<128x16xf32, #tpu.memory_space<hbm>>)
      tpu.yield
    }) : () -> ()
    %mul3A_50 = arith.constant 640 : i32
    %mul3A_51 = arith.muli %arg1, %mul3A_50 : i32
    %add3A_52 = arith.constant 384 : i32
    %add3A_53 = arith.addi %mul3A_51, %add3A_52 : i32
    "tpu.region"() ({
      %run_scoped3A = tpu.sem_alloc : memref<!tpu.dma_semaphore, #tpu.memory_space<semaphore_mem>>
      %dma_start3A = arith.constant 0 : i32
      %dma_start3A_64 = tpu.memref_slice %arg9[%add3A_53, %dma_start3A] : memref<10240x16xf32, #tpu.memory_space<vmem_shared>> -> memref<128x16xf32, #tpu.memory_space<vmem_shared>>
      %dma_start3A_65 = arith.constant 0 : i32
      %dma_start3A_66 = tpu.memref_slice %arg9[%add3A_53, %dma_start3A_65] : memref<10240x16xf32, #tpu.memory_space<vmem_shared>> -> memref<128x16xf32, #tpu.memory_space<vmem_shared>>
      tpu.enqueue_dma source(%dma_start3A_66 : memref<128x16xf32, #tpu.memory_space<vmem_shared>>) target(%arg8 : memref<128x16xf32, #tpu.memory_space<vmem>>) target_semaphore(%run_scoped3A : memref<!tpu.dma_semaphore, #tpu.memory_space<semaphore_mem>>)
      %dma_wait3A = arith.constant 0 : i32
      %dma_wait3A_67 = tpu.memref_slice %arg9[%add3A_53, %dma_wait3A] : memref<10240x16xf32, #tpu.memory_space<vmem_shared>> -> memref<128x16xf32, #tpu.memory_space<vmem_shared>>
      %dma_wait3A_68 = arith.constant 0 : i32
      %dma_wait3A_69 = tpu.memref_slice %arg9[%add3A_53, %dma_wait3A_68] : memref<10240x16xf32, #tpu.memory_space<vmem_shared>> -> memref<128x16xf32, #tpu.memory_space<vmem_shared>>
      tpu.wait_dma2 semaphore(%run_scoped3A : memref<!tpu.dma_semaphore, #tpu.memory_space<semaphore_mem>>) src(%dma_wait3A_69 : memref<128x16xf32, #tpu.memory_space<vmem_shared>>) dst(%arg8 : memref<128x16xf32, #tpu.memory_space<vmem>>)
      tpu.yield
    }) : () -> ()
    %mul3A_54 = arith.constant 10240 : i32
    %mul3A_55 = arith.muli %arg0, %mul3A_54 : i32
    %add3A_56 = arith.addi %mul3A_55, %add3A_53 : i32
    "tpu.region"() ({
      %run_scoped3A = tpu.sem_alloc : memref<!tpu.dma_semaphore, #tpu.memory_space<semaphore_mem>>
      %dma_start3A = arith.constant 0 : i32
      %dma_start3A_64 = tpu.memref_slice %arg5[%add3A_56, %dma_start3A] : memref<20480x16xf32, #tpu.memory_space<hbm>> -> memref<128x16xf32, #tpu.memory_space<hbm>>
      %dma_start3A_65 = arith.constant 0 : i32
      %dma_start3A_66 = tpu.memref_slice %arg5[%add3A_56, %dma_start3A_65] : memref<20480x16xf32, #tpu.memory_space<hbm>> -> memref<128x16xf32, #tpu.memory_space<hbm>>
      tpu.enqueue_dma source(%arg8 : memref<128x16xf32, #tpu.memory_space<vmem>>) target(%dma_start3A_66 : memref<128x16xf32, #tpu.memory_space<hbm>>) target_semaphore(%run_scoped3A : memref<!tpu.dma_semaphore, #tpu.memory_space<semaphore_mem>>)
      %dma_wait3A = arith.constant 0 : i32
      %dma_wait3A_67 = tpu.memref_slice %arg5[%add3A_56, %dma_wait3A] : memref<20480x16xf32, #tpu.memory_space<hbm>> -> memref<128x16xf32, #tpu.memory_space<hbm>>
      %dma_wait3A_68 = arith.constant 0 : i32
      %dma_wait3A_69 = tpu.memref_slice %arg5[%add3A_56, %dma_wait3A_68] : memref<20480x16xf32, #tpu.memory_space<hbm>> -> memref<128x16xf32, #tpu.memory_space<hbm>>
      tpu.wait_dma2 semaphore(%run_scoped3A : memref<!tpu.dma_semaphore, #tpu.memory_space<semaphore_mem>>) src(%arg8 : memref<128x16xf32, #tpu.memory_space<vmem>>) dst(%dma_wait3A_69 : memref<128x16xf32, #tpu.memory_space<hbm>>)
      tpu.yield
    }) : () -> ()
    %mul3A_57 = arith.constant 640 : i32
    %mul3A_58 = arith.muli %arg1, %mul3A_57 : i32
    %add3A_59 = arith.constant 512 : i32
    %add3A_60 = arith.addi %mul3A_58, %add3A_59 : i32
    "tpu.region"() ({
      %run_scoped3A = tpu.sem_alloc : memref<!tpu.dma_semaphore, #tpu.memory_space<semaphore_mem>>
      %dma_start3A = arith.constant 0 : i32
      %dma_start3A_64 = tpu.memref_slice %arg9[%add3A_60, %dma_start3A] : memref<10240x16xf32, #tpu.memory_space<vmem_shared>> -> memref<128x16xf32, #tpu.memory_space<vmem_shared>>
      %dma_start3A_65 = arith.constant 0 : i32
      %dma_start3A_66 = tpu.memref_slice %arg9[%add3A_60, %dma_start3A_65] : memref<10240x16xf32, #tpu.memory_space<vmem_shared>> -> memref<128x16xf32, #tpu.memory_space<vmem_shared>>
      tpu.enqueue_dma source(%dma_start3A_66 : memref<128x16xf32, #tpu.memory_space<vmem_shared>>) target(%arg8 : memref<128x16xf32, #tpu.memory_space<vmem>>) target_semaphore(%run_scoped3A : memref<!tpu.dma_semaphore, #tpu.memory_space<semaphore_mem>>)
      %dma_wait3A = arith.constant 0 : i32
      %dma_wait3A_67 = tpu.memref_slice %arg9[%add3A_60, %dma_wait3A] : memref<10240x16xf32, #tpu.memory_space<vmem_shared>> -> memref<128x16xf32, #tpu.memory_space<vmem_shared>>
      %dma_wait3A_68 = arith.constant 0 : i32
      %dma_wait3A_69 = tpu.memref_slice %arg9[%add3A_60, %dma_wait3A_68] : memref<10240x16xf32, #tpu.memory_space<vmem_shared>> -> memref<128x16xf32, #tpu.memory_space<vmem_shared>>
      tpu.wait_dma2 semaphore(%run_scoped3A : memref<!tpu.dma_semaphore, #tpu.memory_space<semaphore_mem>>) src(%dma_wait3A_69 : memref<128x16xf32, #tpu.memory_space<vmem_shared>>) dst(%arg8 : memref<128x16xf32, #tpu.memory_space<vmem>>)
      tpu.yield
    }) : () -> ()
    %mul3A_61 = arith.constant 10240 : i32
    %mul3A_62 = arith.muli %arg0, %mul3A_61 : i32
    %add3A_63 = arith.addi %mul3A_62, %add3A_60 : i32
    "tpu.region"() ({
      %run_scoped3A = tpu.sem_alloc : memref<!tpu.dma_semaphore, #tpu.memory_space<semaphore_mem>>
      %dma_start3A = arith.constant 0 : i32
      %dma_start3A_64 = tpu.memref_slice %arg5[%add3A_63, %dma_start3A] : memref<20480x16xf32, #tpu.memory_space<hbm>> -> memref<128x16xf32, #tpu.memory_space<hbm>>
      %dma_start3A_65 = arith.constant 0 : i32
      %dma_start3A_66 = tpu.memref_slice %arg5[%add3A_63, %dma_start3A_65] : memref<20480x16xf32, #tpu.memory_space<hbm>> -> memref<128x16xf32, #tpu.memory_space<hbm>>
      tpu.enqueue_dma source(%arg8 : memref<128x16xf32, #tpu.memory_space<vmem>>) target(%dma_start3A_66 : memref<128x16xf32, #tpu.memory_space<hbm>>) target_semaphore(%run_scoped3A : memref<!tpu.dma_semaphore, #tpu.memory_space<semaphore_mem>>)
      %dma_wait3A = arith.constant 0 : i32
      %dma_wait3A_67 = tpu.memref_slice %arg5[%add3A_63, %dma_wait3A] : memref<20480x16xf32, #tpu.memory_space<hbm>> -> memref<128x16xf32, #tpu.memory_space<hbm>>
      %dma_wait3A_68 = arith.constant 0 : i32
      %dma_wait3A_69 = tpu.memref_slice %arg5[%add3A_63, %dma_wait3A_68] : memref<20480x16xf32, #tpu.memory_space<hbm>> -> memref<128x16xf32, #tpu.memory_space<hbm>>
      tpu.wait_dma2 semaphore(%run_scoped3A : memref<!tpu.dma_semaphore, #tpu.memory_space<semaphore_mem>>) src(%arg8 : memref<128x16xf32, #tpu.memory_space<vmem>>) dst(%dma_wait3A_69 : memref<128x16xf32, #tpu.memory_space<hbm>>)
      tpu.yield
    }) : () -> ()
    return
  }
}

#map = affine_map<(d0, d1) -> (0, 0)>
module attributes {stable_mosaic.version = 14 : i64} {
  func.func @_scatter_kernel(%arg0: i32, %arg1: i32, %arg2: memref<20480x32xi32, #tpu.memory_space<hbm>>, %arg3: memref<2560x128xi32, #tpu.memory_space<hbm>>, %arg4: memref<2560x128xi32, #tpu.memory_space<hbm>>, %arg5: memref<128x64xf32, #tpu.memory_space<hbm>>, %arg6: memref<20480x64xf32, #tpu.memory_space<hbm>>, %arg7: memref<80x128xi32, #tpu.memory_space<vmem>>, %arg8: memref<80x128xi32, #tpu.memory_space<vmem>>, %arg9: memref<128x32xi32, #tpu.memory_space<vmem>>, %arg10: memref<128x32xi32, #tpu.memory_space<vmem>>, %arg11: memref<128x64xf32, #tpu.memory_space<vmem>>, %arg12: memref<128x64xf32, #tpu.memory_space<vmem>>, %arg13: memref<128x64xf32, #tpu.memory_space<vmem>>, %arg14: memref<128x32xi32, #tpu.memory_space<vmem>>, %arg15: memref<10240x32xi32, #tpu.memory_space<vmem_shared>>, %arg16: memref<10240x64xf32, #tpu.memory_space<vmem_shared>>, %arg17: memref<!tpu.dma_semaphore, #tpu.memory_space<semaphore_mem>>, %arg18: memref<!tpu.dma_semaphore, #tpu.memory_space<semaphore_mem>>, %arg19: memref<!tpu.dma_semaphore, #tpu.memory_space<semaphore_mem>>, %arg20: memref<!tpu.dma_semaphore, #tpu.memory_space<semaphore_mem>>) attributes {dimension_semantics = [#tpu.dimension_semantics<core_parallel>, #tpu.dimension_semantics<subcore_parallel>], iteration_bounds = array<i64: 2, 16>, scalar_prefetch = 0 : i64, scratch_operands = 14 : i64, tpu.core_type = #tpu.core_type<sc_vector_subcore>, window_params = [{transform_indices = #map}, {transform_indices = #map}, {transform_indices = #map}, {transform_indices = #map}, {transform_indices = #map}]} {
    "tpu.region"() ({
      %run_scoped3A = tpu.sem_alloc : memref<!tpu.dma_semaphore, #tpu.memory_space<semaphore_mem>>
      tpu.enqueue_dma source(%arg5 : memref<128x64xf32, #tpu.memory_space<hbm>>) target(%arg13 : memref<128x64xf32, #tpu.memory_space<vmem>>) target_semaphore(%run_scoped3A : memref<!tpu.dma_semaphore, #tpu.memory_space<semaphore_mem>>)
      tpu.wait_dma2 semaphore(%run_scoped3A : memref<!tpu.dma_semaphore, #tpu.memory_space<semaphore_mem>>) src(%arg5 : memref<128x64xf32, #tpu.memory_space<hbm>>) dst(%arg13 : memref<128x64xf32, #tpu.memory_space<vmem>>)
      tpu.yield
    }) : () -> ()
    %mul3A = arith.constant 640 : i32
    %mul3A_0 = arith.muli %arg1, %mul3A : i32
    %add3A = arith.constant 0 : i32
    %add3A_1 = arith.addi %mul3A_0, %add3A : i32
    %mul3A_2 = arith.constant 10240 : i32
    %mul3A_3 = arith.muli %arg0, %mul3A_2 : i32
    %add3A_4 = arith.addi %mul3A_3, %add3A_1 : i32
    "tpu.region"() ({
      %run_scoped3A = tpu.sem_alloc : memref<!tpu.dma_semaphore, #tpu.memory_space<semaphore_mem>>
      %dma_start3A_150 = arith.constant 0 : i32
      %dma_start3A_151 = tpu.memref_slice %arg2[%add3A_4, %dma_start3A_150] : memref<20480x32xi32, #tpu.memory_space<hbm>> -> memref<128x32xi32, #tpu.memory_space<hbm>>
      %dma_start3A_152 = arith.constant 0 : i32
      %dma_start3A_153 = tpu.memref_slice %arg2[%add3A_4, %dma_start3A_152] : memref<20480x32xi32, #tpu.memory_space<hbm>> -> memref<128x32xi32, #tpu.memory_space<hbm>>
      tpu.enqueue_dma source(%dma_start3A_153 : memref<128x32xi32, #tpu.memory_space<hbm>>) target(%arg14 : memref<128x32xi32, #tpu.memory_space<vmem>>) target_semaphore(%run_scoped3A : memref<!tpu.dma_semaphore, #tpu.memory_space<semaphore_mem>>)
      %dma_wait3A_154 = arith.constant 0 : i32
      %dma_wait3A_155 = tpu.memref_slice %arg2[%add3A_4, %dma_wait3A_154] : memref<20480x32xi32, #tpu.memory_space<hbm>> -> memref<128x32xi32, #tpu.memory_space<hbm>>
      %dma_wait3A_156 = arith.constant 0 : i32
      %dma_wait3A_157 = tpu.memref_slice %arg2[%add3A_4, %dma_wait3A_156] : memref<20480x32xi32, #tpu.memory_space<hbm>> -> memref<128x32xi32, #tpu.memory_space<hbm>>
      tpu.wait_dma2 semaphore(%run_scoped3A : memref<!tpu.dma_semaphore, #tpu.memory_space<semaphore_mem>>) src(%dma_wait3A_157 : memref<128x32xi32, #tpu.memory_space<hbm>>) dst(%arg14 : memref<128x32xi32, #tpu.memory_space<vmem>>)
      tpu.yield
    }) : () -> ()
    "tpu.region"() ({
      %run_scoped3A = tpu.sem_alloc : memref<!tpu.dma_semaphore, #tpu.memory_space<semaphore_mem>>
      %dma_start3A_150 = arith.constant 0 : i32
      %dma_start3A_151 = tpu.memref_slice %arg15[%add3A_1, %dma_start3A_150] : memref<10240x32xi32, #tpu.memory_space<vmem_shared>> -> memref<128x32xi32, #tpu.memory_space<vmem_shared>>
      %dma_start3A_152 = arith.constant 0 : i32
      %dma_start3A_153 = tpu.memref_slice %arg15[%add3A_1, %dma_start3A_152] : memref<10240x32xi32, #tpu.memory_space<vmem_shared>> -> memref<128x32xi32, #tpu.memory_space<vmem_shared>>
      tpu.enqueue_dma source(%arg14 : memref<128x32xi32, #tpu.memory_space<vmem>>) target(%dma_start3A_153 : memref<128x32xi32, #tpu.memory_space<vmem_shared>>) target_semaphore(%run_scoped3A : memref<!tpu.dma_semaphore, #tpu.memory_space<semaphore_mem>>)
      %dma_wait3A_154 = arith.constant 0 : i32
      %dma_wait3A_155 = tpu.memref_slice %arg15[%add3A_1, %dma_wait3A_154] : memref<10240x32xi32, #tpu.memory_space<vmem_shared>> -> memref<128x32xi32, #tpu.memory_space<vmem_shared>>
      %dma_wait3A_156 = arith.constant 0 : i32
      %dma_wait3A_157 = tpu.memref_slice %arg15[%add3A_1, %dma_wait3A_156] : memref<10240x32xi32, #tpu.memory_space<vmem_shared>> -> memref<128x32xi32, #tpu.memory_space<vmem_shared>>
      tpu.wait_dma2 semaphore(%run_scoped3A : memref<!tpu.dma_semaphore, #tpu.memory_space<semaphore_mem>>) src(%arg14 : memref<128x32xi32, #tpu.memory_space<vmem>>) dst(%dma_wait3A_157 : memref<128x32xi32, #tpu.memory_space<vmem_shared>>)
      tpu.yield
    }) : () -> ()
    "tpu.region"() ({
      %run_scoped3A = tpu.sem_alloc : memref<!tpu.dma_semaphore, #tpu.memory_space<semaphore_mem>>
      %dma_start3A_150 = arith.constant 0 : i32
      %dma_start3A_151 = tpu.memref_slice %arg16[%add3A_1, %dma_start3A_150] : memref<10240x64xf32, #tpu.memory_space<vmem_shared>> -> memref<128x64xf32, #tpu.memory_space<vmem_shared>>
      %dma_start3A_152 = arith.constant 0 : i32
      %dma_start3A_153 = tpu.memref_slice %arg16[%add3A_1, %dma_start3A_152] : memref<10240x64xf32, #tpu.memory_space<vmem_shared>> -> memref<128x64xf32, #tpu.memory_space<vmem_shared>>
      tpu.enqueue_dma source(%arg13 : memref<128x64xf32, #tpu.memory_space<vmem>>) target(%dma_start3A_153 : memref<128x64xf32, #tpu.memory_space<vmem_shared>>) target_semaphore(%run_scoped3A : memref<!tpu.dma_semaphore, #tpu.memory_space<semaphore_mem>>)
      %dma_wait3A_154 = arith.constant 0 : i32
      %dma_wait3A_155 = tpu.memref_slice %arg16[%add3A_1, %dma_wait3A_154] : memref<10240x64xf32, #tpu.memory_space<vmem_shared>> -> memref<128x64xf32, #tpu.memory_space<vmem_shared>>
      %dma_wait3A_156 = arith.constant 0 : i32
      %dma_wait3A_157 = tpu.memref_slice %arg16[%add3A_1, %dma_wait3A_156] : memref<10240x64xf32, #tpu.memory_space<vmem_shared>> -> memref<128x64xf32, #tpu.memory_space<vmem_shared>>
      tpu.wait_dma2 semaphore(%run_scoped3A : memref<!tpu.dma_semaphore, #tpu.memory_space<semaphore_mem>>) src(%arg13 : memref<128x64xf32, #tpu.memory_space<vmem>>) dst(%dma_wait3A_157 : memref<128x64xf32, #tpu.memory_space<vmem_shared>>)
      tpu.yield
    }) : () -> ()
    %mul3A_5 = arith.constant 640 : i32
    %mul3A_6 = arith.muli %arg1, %mul3A_5 : i32
    %add3A_7 = arith.constant 128 : i32
    %add3A_8 = arith.addi %mul3A_6, %add3A_7 : i32
    %mul3A_9 = arith.constant 10240 : i32
    %mul3A_10 = arith.muli %arg0, %mul3A_9 : i32
    %add3A_11 = arith.addi %mul3A_10, %add3A_8 : i32
    "tpu.region"() ({
      %run_scoped3A = tpu.sem_alloc : memref<!tpu.dma_semaphore, #tpu.memory_space<semaphore_mem>>
      %dma_start3A_150 = arith.constant 0 : i32
      %dma_start3A_151 = tpu.memref_slice %arg2[%add3A_11, %dma_start3A_150] : memref<20480x32xi32, #tpu.memory_space<hbm>> -> memref<128x32xi32, #tpu.memory_space<hbm>>
      %dma_start3A_152 = arith.constant 0 : i32
      %dma_start3A_153 = tpu.memref_slice %arg2[%add3A_11, %dma_start3A_152] : memref<20480x32xi32, #tpu.memory_space<hbm>> -> memref<128x32xi32, #tpu.memory_space<hbm>>
      tpu.enqueue_dma source(%dma_start3A_153 : memref<128x32xi32, #tpu.memory_space<hbm>>) target(%arg14 : memref<128x32xi32, #tpu.memory_space<vmem>>) target_semaphore(%run_scoped3A : memref<!tpu.dma_semaphore, #tpu.memory_space<semaphore_mem>>)
      %dma_wait3A_154 = arith.constant 0 : i32
      %dma_wait3A_155 = tpu.memref_slice %arg2[%add3A_11, %dma_wait3A_154] : memref<20480x32xi32, #tpu.memory_space<hbm>> -> memref<128x32xi32, #tpu.memory_space<hbm>>
      %dma_wait3A_156 = arith.constant 0 : i32
      %dma_wait3A_157 = tpu.memref_slice %arg2[%add3A_11, %dma_wait3A_156] : memref<20480x32xi32, #tpu.memory_space<hbm>> -> memref<128x32xi32, #tpu.memory_space<hbm>>
      tpu.wait_dma2 semaphore(%run_scoped3A : memref<!tpu.dma_semaphore, #tpu.memory_space<semaphore_mem>>) src(%dma_wait3A_157 : memref<128x32xi32, #tpu.memory_space<hbm>>) dst(%arg14 : memref<128x32xi32, #tpu.memory_space<vmem>>)
      tpu.yield
    }) : () -> ()
    "tpu.region"() ({
      %run_scoped3A = tpu.sem_alloc : memref<!tpu.dma_semaphore, #tpu.memory_space<semaphore_mem>>
      %dma_start3A_150 = arith.constant 0 : i32
      %dma_start3A_151 = tpu.memref_slice %arg15[%add3A_8, %dma_start3A_150] : memref<10240x32xi32, #tpu.memory_space<vmem_shared>> -> memref<128x32xi32, #tpu.memory_space<vmem_shared>>
      %dma_start3A_152 = arith.constant 0 : i32
      %dma_start3A_153 = tpu.memref_slice %arg15[%add3A_8, %dma_start3A_152] : memref<10240x32xi32, #tpu.memory_space<vmem_shared>> -> memref<128x32xi32, #tpu.memory_space<vmem_shared>>
      tpu.enqueue_dma source(%arg14 : memref<128x32xi32, #tpu.memory_space<vmem>>) target(%dma_start3A_153 : memref<128x32xi32, #tpu.memory_space<vmem_shared>>) target_semaphore(%run_scoped3A : memref<!tpu.dma_semaphore, #tpu.memory_space<semaphore_mem>>)
      %dma_wait3A_154 = arith.constant 0 : i32
      %dma_wait3A_155 = tpu.memref_slice %arg15[%add3A_8, %dma_wait3A_154] : memref<10240x32xi32, #tpu.memory_space<vmem_shared>> -> memref<128x32xi32, #tpu.memory_space<vmem_shared>>
      %dma_wait3A_156 = arith.constant 0 : i32
      %dma_wait3A_157 = tpu.memref_slice %arg15[%add3A_8, %dma_wait3A_156] : memref<10240x32xi32, #tpu.memory_space<vmem_shared>> -> memref<128x32xi32, #tpu.memory_space<vmem_shared>>
      tpu.wait_dma2 semaphore(%run_scoped3A : memref<!tpu.dma_semaphore, #tpu.memory_space<semaphore_mem>>) src(%arg14 : memref<128x32xi32, #tpu.memory_space<vmem>>) dst(%dma_wait3A_157 : memref<128x32xi32, #tpu.memory_space<vmem_shared>>)
      tpu.yield
    }) : () -> ()
    "tpu.region"() ({
      %run_scoped3A = tpu.sem_alloc : memref<!tpu.dma_semaphore, #tpu.memory_space<semaphore_mem>>
      %dma_start3A_150 = arith.constant 0 : i32
      %dma_start3A_151 = tpu.memref_slice %arg16[%add3A_8, %dma_start3A_150] : memref<10240x64xf32, #tpu.memory_space<vmem_shared>> -> memref<128x64xf32, #tpu.memory_space<vmem_shared>>
      %dma_start3A_152 = arith.constant 0 : i32
      %dma_start3A_153 = tpu.memref_slice %arg16[%add3A_8, %dma_start3A_152] : memref<10240x64xf32, #tpu.memory_space<vmem_shared>> -> memref<128x64xf32, #tpu.memory_space<vmem_shared>>
      tpu.enqueue_dma source(%arg13 : memref<128x64xf32, #tpu.memory_space<vmem>>) target(%dma_start3A_153 : memref<128x64xf32, #tpu.memory_space<vmem_shared>>) target_semaphore(%run_scoped3A : memref<!tpu.dma_semaphore, #tpu.memory_space<semaphore_mem>>)
      %dma_wait3A_154 = arith.constant 0 : i32
      %dma_wait3A_155 = tpu.memref_slice %arg16[%add3A_8, %dma_wait3A_154] : memref<10240x64xf32, #tpu.memory_space<vmem_shared>> -> memref<128x64xf32, #tpu.memory_space<vmem_shared>>
      %dma_wait3A_156 = arith.constant 0 : i32
      %dma_wait3A_157 = tpu.memref_slice %arg16[%add3A_8, %dma_wait3A_156] : memref<10240x64xf32, #tpu.memory_space<vmem_shared>> -> memref<128x64xf32, #tpu.memory_space<vmem_shared>>
      tpu.wait_dma2 semaphore(%run_scoped3A : memref<!tpu.dma_semaphore, #tpu.memory_space<semaphore_mem>>) src(%arg13 : memref<128x64xf32, #tpu.memory_space<vmem>>) dst(%dma_wait3A_157 : memref<128x64xf32, #tpu.memory_space<vmem_shared>>)
      tpu.yield
    }) : () -> ()
    %mul3A_12 = arith.constant 640 : i32
    %mul3A_13 = arith.muli %arg1, %mul3A_12 : i32
    %add3A_14 = arith.constant 256 : i32
    %add3A_15 = arith.addi %mul3A_13, %add3A_14 : i32
    %mul3A_16 = arith.constant 10240 : i32
    %mul3A_17 = arith.muli %arg0, %mul3A_16 : i32
    %add3A_18 = arith.addi %mul3A_17, %add3A_15 : i32
    "tpu.region"() ({
      %run_scoped3A = tpu.sem_alloc : memref<!tpu.dma_semaphore, #tpu.memory_space<semaphore_mem>>
      %dma_start3A_150 = arith.constant 0 : i32
      %dma_start3A_151 = tpu.memref_slice %arg2[%add3A_18, %dma_start3A_150] : memref<20480x32xi32, #tpu.memory_space<hbm>> -> memref<128x32xi32, #tpu.memory_space<hbm>>
      %dma_start3A_152 = arith.constant 0 : i32
      %dma_start3A_153 = tpu.memref_slice %arg2[%add3A_18, %dma_start3A_152] : memref<20480x32xi32, #tpu.memory_space<hbm>> -> memref<128x32xi32, #tpu.memory_space<hbm>>
      tpu.enqueue_dma source(%dma_start3A_153 : memref<128x32xi32, #tpu.memory_space<hbm>>) target(%arg14 : memref<128x32xi32, #tpu.memory_space<vmem>>) target_semaphore(%run_scoped3A : memref<!tpu.dma_semaphore, #tpu.memory_space<semaphore_mem>>)
      %dma_wait3A_154 = arith.constant 0 : i32
      %dma_wait3A_155 = tpu.memref_slice %arg2[%add3A_18, %dma_wait3A_154] : memref<20480x32xi32, #tpu.memory_space<hbm>> -> memref<128x32xi32, #tpu.memory_space<hbm>>
      %dma_wait3A_156 = arith.constant 0 : i32
      %dma_wait3A_157 = tpu.memref_slice %arg2[%add3A_18, %dma_wait3A_156] : memref<20480x32xi32, #tpu.memory_space<hbm>> -> memref<128x32xi32, #tpu.memory_space<hbm>>
      tpu.wait_dma2 semaphore(%run_scoped3A : memref<!tpu.dma_semaphore, #tpu.memory_space<semaphore_mem>>) src(%dma_wait3A_157 : memref<128x32xi32, #tpu.memory_space<hbm>>) dst(%arg14 : memref<128x32xi32, #tpu.memory_space<vmem>>)
      tpu.yield
    }) : () -> ()
    "tpu.region"() ({
      %run_scoped3A = tpu.sem_alloc : memref<!tpu.dma_semaphore, #tpu.memory_space<semaphore_mem>>
      %dma_start3A_150 = arith.constant 0 : i32
      %dma_start3A_151 = tpu.memref_slice %arg15[%add3A_15, %dma_start3A_150] : memref<10240x32xi32, #tpu.memory_space<vmem_shared>> -> memref<128x32xi32, #tpu.memory_space<vmem_shared>>
      %dma_start3A_152 = arith.constant 0 : i32
      %dma_start3A_153 = tpu.memref_slice %arg15[%add3A_15, %dma_start3A_152] : memref<10240x32xi32, #tpu.memory_space<vmem_shared>> -> memref<128x32xi32, #tpu.memory_space<vmem_shared>>
      tpu.enqueue_dma source(%arg14 : memref<128x32xi32, #tpu.memory_space<vmem>>) target(%dma_start3A_153 : memref<128x32xi32, #tpu.memory_space<vmem_shared>>) target_semaphore(%run_scoped3A : memref<!tpu.dma_semaphore, #tpu.memory_space<semaphore_mem>>)
      %dma_wait3A_154 = arith.constant 0 : i32
      %dma_wait3A_155 = tpu.memref_slice %arg15[%add3A_15, %dma_wait3A_154] : memref<10240x32xi32, #tpu.memory_space<vmem_shared>> -> memref<128x32xi32, #tpu.memory_space<vmem_shared>>
      %dma_wait3A_156 = arith.constant 0 : i32
      %dma_wait3A_157 = tpu.memref_slice %arg15[%add3A_15, %dma_wait3A_156] : memref<10240x32xi32, #tpu.memory_space<vmem_shared>> -> memref<128x32xi32, #tpu.memory_space<vmem_shared>>
      tpu.wait_dma2 semaphore(%run_scoped3A : memref<!tpu.dma_semaphore, #tpu.memory_space<semaphore_mem>>) src(%arg14 : memref<128x32xi32, #tpu.memory_space<vmem>>) dst(%dma_wait3A_157 : memref<128x32xi32, #tpu.memory_space<vmem_shared>>)
      tpu.yield
    }) : () -> ()
    "tpu.region"() ({
      %run_scoped3A = tpu.sem_alloc : memref<!tpu.dma_semaphore, #tpu.memory_space<semaphore_mem>>
      %dma_start3A_150 = arith.constant 0 : i32
      %dma_start3A_151 = tpu.memref_slice %arg16[%add3A_15, %dma_start3A_150] : memref<10240x64xf32, #tpu.memory_space<vmem_shared>> -> memref<128x64xf32, #tpu.memory_space<vmem_shared>>
      %dma_start3A_152 = arith.constant 0 : i32
      %dma_start3A_153 = tpu.memref_slice %arg16[%add3A_15, %dma_start3A_152] : memref<10240x64xf32, #tpu.memory_space<vmem_shared>> -> memref<128x64xf32, #tpu.memory_space<vmem_shared>>
      tpu.enqueue_dma source(%arg13 : memref<128x64xf32, #tpu.memory_space<vmem>>) target(%dma_start3A_153 : memref<128x64xf32, #tpu.memory_space<vmem_shared>>) target_semaphore(%run_scoped3A : memref<!tpu.dma_semaphore, #tpu.memory_space<semaphore_mem>>)
      %dma_wait3A_154 = arith.constant 0 : i32
      %dma_wait3A_155 = tpu.memref_slice %arg16[%add3A_15, %dma_wait3A_154] : memref<10240x64xf32, #tpu.memory_space<vmem_shared>> -> memref<128x64xf32, #tpu.memory_space<vmem_shared>>
      %dma_wait3A_156 = arith.constant 0 : i32
      %dma_wait3A_157 = tpu.memref_slice %arg16[%add3A_15, %dma_wait3A_156] : memref<10240x64xf32, #tpu.memory_space<vmem_shared>> -> memref<128x64xf32, #tpu.memory_space<vmem_shared>>
      tpu.wait_dma2 semaphore(%run_scoped3A : memref<!tpu.dma_semaphore, #tpu.memory_space<semaphore_mem>>) src(%arg13 : memref<128x64xf32, #tpu.memory_space<vmem>>) dst(%dma_wait3A_157 : memref<128x64xf32, #tpu.memory_space<vmem_shared>>)
      tpu.yield
    }) : () -> ()
    %mul3A_19 = arith.constant 640 : i32
    %mul3A_20 = arith.muli %arg1, %mul3A_19 : i32
    %add3A_21 = arith.constant 384 : i32
    %add3A_22 = arith.addi %mul3A_20, %add3A_21 : i32
    %mul3A_23 = arith.constant 10240 : i32
    %mul3A_24 = arith.muli %arg0, %mul3A_23 : i32
    %add3A_25 = arith.addi %mul3A_24, %add3A_22 : i32
    "tpu.region"() ({
      %run_scoped3A = tpu.sem_alloc : memref<!tpu.dma_semaphore, #tpu.memory_space<semaphore_mem>>
      %dma_start3A_150 = arith.constant 0 : i32
      %dma_start3A_151 = tpu.memref_slice %arg2[%add3A_25, %dma_start3A_150] : memref<20480x32xi32, #tpu.memory_space<hbm>> -> memref<128x32xi32, #tpu.memory_space<hbm>>
      %dma_start3A_152 = arith.constant 0 : i32
      %dma_start3A_153 = tpu.memref_slice %arg2[%add3A_25, %dma_start3A_152] : memref<20480x32xi32, #tpu.memory_space<hbm>> -> memref<128x32xi32, #tpu.memory_space<hbm>>
      tpu.enqueue_dma source(%dma_start3A_153 : memref<128x32xi32, #tpu.memory_space<hbm>>) target(%arg14 : memref<128x32xi32, #tpu.memory_space<vmem>>) target_semaphore(%run_scoped3A : memref<!tpu.dma_semaphore, #tpu.memory_space<semaphore_mem>>)
      %dma_wait3A_154 = arith.constant 0 : i32
      %dma_wait3A_155 = tpu.memref_slice %arg2[%add3A_25, %dma_wait3A_154] : memref<20480x32xi32, #tpu.memory_space<hbm>> -> memref<128x32xi32, #tpu.memory_space<hbm>>
      %dma_wait3A_156 = arith.constant 0 : i32
      %dma_wait3A_157 = tpu.memref_slice %arg2[%add3A_25, %dma_wait3A_156] : memref<20480x32xi32, #tpu.memory_space<hbm>> -> memref<128x32xi32, #tpu.memory_space<hbm>>
      tpu.wait_dma2 semaphore(%run_scoped3A : memref<!tpu.dma_semaphore, #tpu.memory_space<semaphore_mem>>) src(%dma_wait3A_157 : memref<128x32xi32, #tpu.memory_space<hbm>>) dst(%arg14 : memref<128x32xi32, #tpu.memory_space<vmem>>)
      tpu.yield
    }) : () -> ()
    "tpu.region"() ({
      %run_scoped3A = tpu.sem_alloc : memref<!tpu.dma_semaphore, #tpu.memory_space<semaphore_mem>>
      %dma_start3A_150 = arith.constant 0 : i32
      %dma_start3A_151 = tpu.memref_slice %arg15[%add3A_22, %dma_start3A_150] : memref<10240x32xi32, #tpu.memory_space<vmem_shared>> -> memref<128x32xi32, #tpu.memory_space<vmem_shared>>
      %dma_start3A_152 = arith.constant 0 : i32
      %dma_start3A_153 = tpu.memref_slice %arg15[%add3A_22, %dma_start3A_152] : memref<10240x32xi32, #tpu.memory_space<vmem_shared>> -> memref<128x32xi32, #tpu.memory_space<vmem_shared>>
      tpu.enqueue_dma source(%arg14 : memref<128x32xi32, #tpu.memory_space<vmem>>) target(%dma_start3A_153 : memref<128x32xi32, #tpu.memory_space<vmem_shared>>) target_semaphore(%run_scoped3A : memref<!tpu.dma_semaphore, #tpu.memory_space<semaphore_mem>>)
      %dma_wait3A_154 = arith.constant 0 : i32
      %dma_wait3A_155 = tpu.memref_slice %arg15[%add3A_22, %dma_wait3A_154] : memref<10240x32xi32, #tpu.memory_space<vmem_shared>> -> memref<128x32xi32, #tpu.memory_space<vmem_shared>>
      %dma_wait3A_156 = arith.constant 0 : i32
      %dma_wait3A_157 = tpu.memref_slice %arg15[%add3A_22, %dma_wait3A_156] : memref<10240x32xi32, #tpu.memory_space<vmem_shared>> -> memref<128x32xi32, #tpu.memory_space<vmem_shared>>
      tpu.wait_dma2 semaphore(%run_scoped3A : memref<!tpu.dma_semaphore, #tpu.memory_space<semaphore_mem>>) src(%arg14 : memref<128x32xi32, #tpu.memory_space<vmem>>) dst(%dma_wait3A_157 : memref<128x32xi32, #tpu.memory_space<vmem_shared>>)
      tpu.yield
    }) : () -> ()
    "tpu.region"() ({
      %run_scoped3A = tpu.sem_alloc : memref<!tpu.dma_semaphore, #tpu.memory_space<semaphore_mem>>
      %dma_start3A_150 = arith.constant 0 : i32
      %dma_start3A_151 = tpu.memref_slice %arg16[%add3A_22, %dma_start3A_150] : memref<10240x64xf32, #tpu.memory_space<vmem_shared>> -> memref<128x64xf32, #tpu.memory_space<vmem_shared>>
      %dma_start3A_152 = arith.constant 0 : i32
      %dma_start3A_153 = tpu.memref_slice %arg16[%add3A_22, %dma_start3A_152] : memref<10240x64xf32, #tpu.memory_space<vmem_shared>> -> memref<128x64xf32, #tpu.memory_space<vmem_shared>>
      tpu.enqueue_dma source(%arg13 : memref<128x64xf32, #tpu.memory_space<vmem>>) target(%dma_start3A_153 : memref<128x64xf32, #tpu.memory_space<vmem_shared>>) target_semaphore(%run_scoped3A : memref<!tpu.dma_semaphore, #tpu.memory_space<semaphore_mem>>)
      %dma_wait3A_154 = arith.constant 0 : i32
      %dma_wait3A_155 = tpu.memref_slice %arg16[%add3A_22, %dma_wait3A_154] : memref<10240x64xf32, #tpu.memory_space<vmem_shared>> -> memref<128x64xf32, #tpu.memory_space<vmem_shared>>
      %dma_wait3A_156 = arith.constant 0 : i32
      %dma_wait3A_157 = tpu.memref_slice %arg16[%add3A_22, %dma_wait3A_156] : memref<10240x64xf32, #tpu.memory_space<vmem_shared>> -> memref<128x64xf32, #tpu.memory_space<vmem_shared>>
      tpu.wait_dma2 semaphore(%run_scoped3A : memref<!tpu.dma_semaphore, #tpu.memory_space<semaphore_mem>>) src(%arg13 : memref<128x64xf32, #tpu.memory_space<vmem>>) dst(%dma_wait3A_157 : memref<128x64xf32, #tpu.memory_space<vmem_shared>>)
      tpu.yield
    }) : () -> ()
    %mul3A_26 = arith.constant 640 : i32
    %mul3A_27 = arith.muli %arg1, %mul3A_26 : i32
    %add3A_28 = arith.constant 512 : i32
    %add3A_29 = arith.addi %mul3A_27, %add3A_28 : i32
    %mul3A_30 = arith.constant 10240 : i32
    %mul3A_31 = arith.muli %arg0, %mul3A_30 : i32
    %add3A_32 = arith.addi %mul3A_31, %add3A_29 : i32
    "tpu.region"() ({
      %run_scoped3A = tpu.sem_alloc : memref<!tpu.dma_semaphore, #tpu.memory_space<semaphore_mem>>
      %dma_start3A_150 = arith.constant 0 : i32
      %dma_start3A_151 = tpu.memref_slice %arg2[%add3A_32, %dma_start3A_150] : memref<20480x32xi32, #tpu.memory_space<hbm>> -> memref<128x32xi32, #tpu.memory_space<hbm>>
      %dma_start3A_152 = arith.constant 0 : i32
      %dma_start3A_153 = tpu.memref_slice %arg2[%add3A_32, %dma_start3A_152] : memref<20480x32xi32, #tpu.memory_space<hbm>> -> memref<128x32xi32, #tpu.memory_space<hbm>>
      tpu.enqueue_dma source(%dma_start3A_153 : memref<128x32xi32, #tpu.memory_space<hbm>>) target(%arg14 : memref<128x32xi32, #tpu.memory_space<vmem>>) target_semaphore(%run_scoped3A : memref<!tpu.dma_semaphore, #tpu.memory_space<semaphore_mem>>)
      %dma_wait3A_154 = arith.constant 0 : i32
      %dma_wait3A_155 = tpu.memref_slice %arg2[%add3A_32, %dma_wait3A_154] : memref<20480x32xi32, #tpu.memory_space<hbm>> -> memref<128x32xi32, #tpu.memory_space<hbm>>
      %dma_wait3A_156 = arith.constant 0 : i32
      %dma_wait3A_157 = tpu.memref_slice %arg2[%add3A_32, %dma_wait3A_156] : memref<20480x32xi32, #tpu.memory_space<hbm>> -> memref<128x32xi32, #tpu.memory_space<hbm>>
      tpu.wait_dma2 semaphore(%run_scoped3A : memref<!tpu.dma_semaphore, #tpu.memory_space<semaphore_mem>>) src(%dma_wait3A_157 : memref<128x32xi32, #tpu.memory_space<hbm>>) dst(%arg14 : memref<128x32xi32, #tpu.memory_space<vmem>>)
      tpu.yield
    }) : () -> ()
    "tpu.region"() ({
      %run_scoped3A = tpu.sem_alloc : memref<!tpu.dma_semaphore, #tpu.memory_space<semaphore_mem>>
      %dma_start3A_150 = arith.constant 0 : i32
      %dma_start3A_151 = tpu.memref_slice %arg15[%add3A_29, %dma_start3A_150] : memref<10240x32xi32, #tpu.memory_space<vmem_shared>> -> memref<128x32xi32, #tpu.memory_space<vmem_shared>>
      %dma_start3A_152 = arith.constant 0 : i32
      %dma_start3A_153 = tpu.memref_slice %arg15[%add3A_29, %dma_start3A_152] : memref<10240x32xi32, #tpu.memory_space<vmem_shared>> -> memref<128x32xi32, #tpu.memory_space<vmem_shared>>
      tpu.enqueue_dma source(%arg14 : memref<128x32xi32, #tpu.memory_space<vmem>>) target(%dma_start3A_153 : memref<128x32xi32, #tpu.memory_space<vmem_shared>>) target_semaphore(%run_scoped3A : memref<!tpu.dma_semaphore, #tpu.memory_space<semaphore_mem>>)
      %dma_wait3A_154 = arith.constant 0 : i32
      %dma_wait3A_155 = tpu.memref_slice %arg15[%add3A_29, %dma_wait3A_154] : memref<10240x32xi32, #tpu.memory_space<vmem_shared>> -> memref<128x32xi32, #tpu.memory_space<vmem_shared>>
      %dma_wait3A_156 = arith.constant 0 : i32
      %dma_wait3A_157 = tpu.memref_slice %arg15[%add3A_29, %dma_wait3A_156] : memref<10240x32xi32, #tpu.memory_space<vmem_shared>> -> memref<128x32xi32, #tpu.memory_space<vmem_shared>>
      tpu.wait_dma2 semaphore(%run_scoped3A : memref<!tpu.dma_semaphore, #tpu.memory_space<semaphore_mem>>) src(%arg14 : memref<128x32xi32, #tpu.memory_space<vmem>>) dst(%dma_wait3A_157 : memref<128x32xi32, #tpu.memory_space<vmem_shared>>)
      tpu.yield
    }) : () -> ()
    "tpu.region"() ({
      %run_scoped3A = tpu.sem_alloc : memref<!tpu.dma_semaphore, #tpu.memory_space<semaphore_mem>>
      %dma_start3A_150 = arith.constant 0 : i32
      %dma_start3A_151 = tpu.memref_slice %arg16[%add3A_29, %dma_start3A_150] : memref<10240x64xf32, #tpu.memory_space<vmem_shared>> -> memref<128x64xf32, #tpu.memory_space<vmem_shared>>
      %dma_start3A_152 = arith.constant 0 : i32
      %dma_start3A_153 = tpu.memref_slice %arg16[%add3A_29, %dma_start3A_152] : memref<10240x64xf32, #tpu.memory_space<vmem_shared>> -> memref<128x64xf32, #tpu.memory_space<vmem_shared>>
      tpu.enqueue_dma source(%arg13 : memref<128x64xf32, #tpu.memory_space<vmem>>) target(%dma_start3A_153 : memref<128x64xf32, #tpu.memory_space<vmem_shared>>) target_semaphore(%run_scoped3A : memref<!tpu.dma_semaphore, #tpu.memory_space<semaphore_mem>>)
      %dma_wait3A_154 = arith.constant 0 : i32
      %dma_wait3A_155 = tpu.memref_slice %arg16[%add3A_29, %dma_wait3A_154] : memref<10240x64xf32, #tpu.memory_space<vmem_shared>> -> memref<128x64xf32, #tpu.memory_space<vmem_shared>>
      %dma_wait3A_156 = arith.constant 0 : i32
      %dma_wait3A_157 = tpu.memref_slice %arg16[%add3A_29, %dma_wait3A_156] : memref<10240x64xf32, #tpu.memory_space<vmem_shared>> -> memref<128x64xf32, #tpu.memory_space<vmem_shared>>
      tpu.wait_dma2 semaphore(%run_scoped3A : memref<!tpu.dma_semaphore, #tpu.memory_space<semaphore_mem>>) src(%arg13 : memref<128x64xf32, #tpu.memory_space<vmem>>) dst(%dma_wait3A_157 : memref<128x64xf32, #tpu.memory_space<vmem_shared>>)
      tpu.yield
    }) : () -> ()
    %barrier3A = arith.constant 0 : index
    tpu.barrier barrier_id(%barrier3A)
    %mul3A_33 = arith.constant 160 : i32
    %mul3A_34 = arith.muli %arg1, %mul3A_33 : i32
    %add3A_35 = arith.constant 0 : i32
    %add3A_36 = arith.addi %mul3A_34, %add3A_35 : i32
    "tpu.region"() ({
      %run_scoped3A = tpu.sem_alloc : memref<!tpu.dma_semaphore, #tpu.memory_space<semaphore_mem>>
      %dma_start3A_150 = arith.constant 0 : i32
      %dma_start3A_151 = tpu.memref_slice %arg3[%add3A_36, %dma_start3A_150] : memref<2560x128xi32, #tpu.memory_space<hbm>> -> memref<80x128xi32, #tpu.memory_space<hbm>>
      %dma_start3A_152 = arith.constant 0 : i32
      %dma_start3A_153 = tpu.memref_slice %arg3[%add3A_36, %dma_start3A_152] : memref<2560x128xi32, #tpu.memory_space<hbm>> -> memref<80x128xi32, #tpu.memory_space<hbm>>
      tpu.enqueue_dma source(%dma_start3A_153 : memref<80x128xi32, #tpu.memory_space<hbm>>) target(%arg7 : memref<80x128xi32, #tpu.memory_space<vmem>>) target_semaphore(%run_scoped3A : memref<!tpu.dma_semaphore, #tpu.memory_space<semaphore_mem>>)
      %dma_wait3A_154 = arith.constant 0 : i32
      %dma_wait3A_155 = tpu.memref_slice %arg3[%add3A_36, %dma_wait3A_154] : memref<2560x128xi32, #tpu.memory_space<hbm>> -> memref<80x128xi32, #tpu.memory_space<hbm>>
      %dma_wait3A_156 = arith.constant 0 : i32
      %dma_wait3A_157 = tpu.memref_slice %arg3[%add3A_36, %dma_wait3A_156] : memref<2560x128xi32, #tpu.memory_space<hbm>> -> memref<80x128xi32, #tpu.memory_space<hbm>>
      tpu.wait_dma2 semaphore(%run_scoped3A : memref<!tpu.dma_semaphore, #tpu.memory_space<semaphore_mem>>) src(%dma_wait3A_157 : memref<80x128xi32, #tpu.memory_space<hbm>>) dst(%arg7 : memref<80x128xi32, #tpu.memory_space<vmem>>)
      tpu.yield
    }) : () -> ()
    %mul3A_37 = arith.constant 160 : i32
    %mul3A_38 = arith.muli %arg1, %mul3A_37 : i32
    %add3A_39 = arith.constant 0 : i32
    %add3A_40 = arith.addi %mul3A_38, %add3A_39 : i32
    "tpu.region"() ({
      %run_scoped3A = tpu.sem_alloc : memref<!tpu.dma_semaphore, #tpu.memory_space<semaphore_mem>>
      %dma_start3A_150 = arith.constant 0 : i32
      %dma_start3A_151 = tpu.memref_slice %arg4[%add3A_40, %dma_start3A_150] : memref<2560x128xi32, #tpu.memory_space<hbm>> -> memref<80x128xi32, #tpu.memory_space<hbm>>
      %dma_start3A_152 = arith.constant 0 : i32
      %dma_start3A_153 = tpu.memref_slice %arg4[%add3A_40, %dma_start3A_152] : memref<2560x128xi32, #tpu.memory_space<hbm>> -> memref<80x128xi32, #tpu.memory_space<hbm>>
      tpu.enqueue_dma source(%dma_start3A_153 : memref<80x128xi32, #tpu.memory_space<hbm>>) target(%arg8 : memref<80x128xi32, #tpu.memory_space<vmem>>) target_semaphore(%run_scoped3A : memref<!tpu.dma_semaphore, #tpu.memory_space<semaphore_mem>>)
      %dma_wait3A_154 = arith.constant 0 : i32
      %dma_wait3A_155 = tpu.memref_slice %arg4[%add3A_40, %dma_wait3A_154] : memref<2560x128xi32, #tpu.memory_space<hbm>> -> memref<80x128xi32, #tpu.memory_space<hbm>>
      %dma_wait3A_156 = arith.constant 0 : i32
      %dma_wait3A_157 = tpu.memref_slice %arg4[%add3A_40, %dma_wait3A_156] : memref<2560x128xi32, #tpu.memory_space<hbm>> -> memref<80x128xi32, #tpu.memory_space<hbm>>
      tpu.wait_dma2 semaphore(%run_scoped3A : memref<!tpu.dma_semaphore, #tpu.memory_space<semaphore_mem>>) src(%dma_wait3A_157 : memref<80x128xi32, #tpu.memory_space<hbm>>) dst(%arg8 : memref<80x128xi32, #tpu.memory_space<vmem>>)
      tpu.yield
    }) : () -> ()
    %dma_start3A = arith.constant 0 : i32
    %dma_start3A_41 = arith.constant 0 : i32
    %dma_start3A_42 = tpu.memref_slice %arg7[%dma_start3A, %dma_start3A_41] : memref<80x128xi32, #tpu.memory_space<vmem>> -> memref<1x128xi32, #tpu.memory_space<vmem>>
    %dma_start3A_43 = tpu.memref_squeeze %dma_start3A_42 : memref<1x128xi32, #tpu.memory_space<vmem>> -> memref<128xi32, #tpu.memory_space<vmem>>
    %dma_start3A_44 = arith.constant 0 : i32
    %dma_start3A_45 = arith.constant 0 : i32
    %dma_start3A_46 = tpu.memref_slice %arg15[%dma_start3A_44, %dma_start3A_45] : memref<10240x32xi32, #tpu.memory_space<vmem_shared>> -> memref<10240x32xi32, #tpu.memory_space<vmem_shared>>
    tpu.enqueue_indirect_dma source(%dma_start3A_46 : memref<10240x32xi32, #tpu.memory_space<vmem_shared>>) target(%arg9 : memref<128x32xi32, #tpu.memory_space<vmem>>) offsets(%dma_start3A_43 : memref<128xi32, #tpu.memory_space<vmem>>) semaphore(%arg17 : memref<!tpu.dma_semaphore, #tpu.memory_space<semaphore_mem>>)
    %dma_start3A_47 = arith.constant 1 : i32
    %dma_start3A_48 = arith.constant 0 : i32
    %dma_start3A_49 = tpu.memref_slice %arg7[%dma_start3A_47, %dma_start3A_48] : memref<80x128xi32, #tpu.memory_space<vmem>> -> memref<1x128xi32, #tpu.memory_space<vmem>>
    %dma_start3A_50 = tpu.memref_squeeze %dma_start3A_49 : memref<1x128xi32, #tpu.memory_space<vmem>> -> memref<128xi32, #tpu.memory_space<vmem>>
    %dma_start3A_51 = arith.constant 0 : i32
    %dma_start3A_52 = arith.constant 0 : i32
    %dma_start3A_53 = tpu.memref_slice %arg15[%dma_start3A_51, %dma_start3A_52] : memref<10240x32xi32, #tpu.memory_space<vmem_shared>> -> memref<10240x32xi32, #tpu.memory_space<vmem_shared>>
    tpu.enqueue_indirect_dma source(%dma_start3A_53 : memref<10240x32xi32, #tpu.memory_space<vmem_shared>>) target(%arg10 : memref<128x32xi32, #tpu.memory_space<vmem>>) offsets(%dma_start3A_50 : memref<128xi32, #tpu.memory_space<vmem>>) semaphore(%arg18 : memref<!tpu.dma_semaphore, #tpu.memory_space<semaphore_mem>>)
    %scan3A = arith.constant 0 : i32
    %scan3A_54 = arith.constant 0 : i32
    %scan3A_55 = arith.constant 40 : i32
    %scan3A_56 = arith.addi %scan3A_54, %scan3A_55 : i32
    %scan3A_57 = arith.constant 1 : i32
    scf.for %scan3A_150 = %scan3A_54 to %scan3A_56 step %scan3A_57  : i32 {
      %mul3A_151 = arith.constant 2 : i32
      %mul3A_152 = arith.muli %mul3A_151, %scan3A_150 : i32
      %add3A_153 = arith.constant 0 : i32
      %add3A_154 = arith.addi %mul3A_152, %add3A_153 : i32
      %dma_wait3A_155 = arith.constant 0 : i32
      %dma_wait3A_156 = tpu.memref_slice %arg7[%add3A_154, %dma_wait3A_155] : memref<80x128xi32, #tpu.memory_space<vmem>> -> memref<1x128xi32, #tpu.memory_space<vmem>>
      %dma_wait3A_157 = tpu.memref_squeeze %dma_wait3A_156 : memref<1x128xi32, #tpu.memory_space<vmem>> -> memref<128xi32, #tpu.memory_space<vmem>>
      %dma_wait3A_158 = arith.constant 0 : i32
      %dma_wait3A_159 = arith.constant 0 : i32
      %dma_wait3A_160 = tpu.memref_slice %arg15[%dma_wait3A_158, %dma_wait3A_159] : memref<10240x32xi32, #tpu.memory_space<vmem_shared>> -> memref<10240x32xi32, #tpu.memory_space<vmem_shared>>
      tpu.wait_indirect_dma semaphore(%arg17 : memref<!tpu.dma_semaphore, #tpu.memory_space<semaphore_mem>>) src(%dma_wait3A_160 : memref<10240x32xi32, #tpu.memory_space<vmem_shared>>) dst(%arg9 : memref<128x32xi32, #tpu.memory_space<vmem>>)
      %ge3A = arith.constant 2 : i32
      %ge3A_161 = arith.cmpi sge, %add3A_154, %ge3A : i32
      %convert_element_type3A = arith.extui %ge3A_161 : i1 to i32
      %cond3A = arith.constant 0 : i32
      %cond3A_162 = arith.cmpi ne, %convert_element_type3A, %cond3A : i32
      scf.if %cond3A_162 {
        %dma_wait3A_215 = arith.constant 0 : i32
        %dma_wait3A_216 = tpu.memref_slice %arg8[%add3A_154, %dma_wait3A_215] : memref<80x128xi32, #tpu.memory_space<vmem>> -> memref<1x128xi32, #tpu.memory_space<vmem>>
        %dma_wait3A_217 = tpu.memref_squeeze %dma_wait3A_216 : memref<1x128xi32, #tpu.memory_space<vmem>> -> memref<128xi32, #tpu.memory_space<vmem>>
        %dma_wait3A_218 = arith.constant 0 : i32
        %dma_wait3A_219 = arith.constant 0 : i32
        %dma_wait3A_220 = tpu.memref_slice %arg16[%dma_wait3A_218, %dma_wait3A_219] : memref<10240x64xf32, #tpu.memory_space<vmem_shared>> -> memref<10240x64xf32, #tpu.memory_space<vmem_shared>>
        tpu.wait_indirect_dma semaphore(%arg19 : memref<!tpu.dma_semaphore, #tpu.memory_space<semaphore_mem>>) src(%arg11 : memref<128x64xf32, #tpu.memory_space<vmem>>) dst(%dma_wait3A_220 : memref<10240x64xf32, #tpu.memory_space<vmem_shared>>)
      } else {
      }
      %scan3A_163 = arith.constant 0 : i32
      %scan3A_164 = arith.constant 0 : i32
      %scan3A_165 = arith.constant 128 : i32
      %scan3A_166 = arith.addi %scan3A_164, %scan3A_165 : i32
      %scan3A_167 = arith.constant 1 : i32
      scf.for %scan3A_215 = %scan3A_164 to %scan3A_166 step %scan3A_167  : i32 {
        %get3A = arith.index_cast %scan3A_215 : i32 to index
        %get3A_216 = arith.constant 0 : index
        %get3A_217 = tpu.vector_load %arg9[%get3A, %get3A_216] {strides = array<i32>} : memref<128x32xi32, #tpu.memory_space<vmem>>, vector<1x16xi32>,
        %get3A_218 = vector.shape_cast %get3A_217 : vector<1x16xi32> to vector<16xi32>
        %shift_left3A = arith.constant 16 : i32
        %shift_left3A_219 = vector.broadcast %shift_left3A : i32 to vector<16xi32>
        %shift_left3A_220 = arith.shli %get3A_218, %shift_left3A_219 : vector<16xi32>
        %bitcast_convert_type3A = tpu.bitcast %shift_left3A_220 : vector<16xi32> -> vector<16xf32>
        %and3A = arith.constant -65536 : i32
        %and3A_221 = vector.broadcast %and3A : i32 to vector<16xi32>
        %and3A_222 = arith.andi %get3A_218, %and3A_221 : vector<16xi32>
        %bitcast_convert_type3A_223 = tpu.bitcast %and3A_222 : vector<16xi32> -> vector<16xf32>
        %swap3A = arith.index_cast %scan3A_215 : i32 to index
        %swap3A_224 = arith.constant 0 : index
        %swap3A_225 = tpu.vector_load %arg11[%swap3A, %swap3A_224] {strides = array<i32>} : memref<128x64xf32, #tpu.memory_space<vmem>>, vector<1x16xf32>,
        %swap3A_226 = vector.shape_cast %swap3A_225 : vector<1x16xf32> to vector<16xf32>
        %swap3A_227 = vector.shape_cast %bitcast_convert_type3A : vector<16xf32> to vector<1x16xf32>
        tpu.vector_store %arg11[%swap3A, %swap3A_224], %swap3A_227 {strides = array<i32>} : memref<128x64xf32, #tpu.memory_space<vmem>>, vector<1x16xf32>,
        %swap3A_228 = arith.index_cast %scan3A_215 : i32 to index
        %swap3A_229 = arith.constant 16 : index
        %swap3A_230 = tpu.vector_load %arg11[%swap3A_228, %swap3A_229] {strides = array<i32>} : memref<128x64xf32, #tpu.memory_space<vmem>>, vector<1x16xf32>,
        %swap3A_231 = vector.shape_cast %swap3A_230 : vector<1x16xf32> to vector<16xf32>
        %swap3A_232 = vector.shape_cast %bitcast_convert_type3A_223 : vector<16xf32> to vector<1x16xf32>
        tpu.vector_store %arg11[%swap3A_228, %swap3A_229], %swap3A_232 {strides = array<i32>} : memref<128x64xf32, #tpu.memory_space<vmem>>, vector<1x16xf32>,
        %get3A_233 = arith.index_cast %scan3A_215 : i32 to index
        %get3A_234 = arith.constant 16 : index
        %get3A_235 = tpu.vector_load %arg9[%get3A_233, %get3A_234] {strides = array<i32>} : memref<128x32xi32, #tpu.memory_space<vmem>>, vector<1x16xi32>,
        %get3A_236 = vector.shape_cast %get3A_235 : vector<1x16xi32> to vector<16xi32>
        %shift_left3A_237 = arith.constant 16 : i32
        %shift_left3A_238 = vector.broadcast %shift_left3A_237 : i32 to vector<16xi32>
        %shift_left3A_239 = arith.shli %get3A_236, %shift_left3A_238 : vector<16xi32>
        %bitcast_convert_type3A_240 = tpu.bitcast %shift_left3A_239 : vector<16xi32> -> vector<16xf32>
        %and3A_241 = arith.constant -65536 : i32
        %and3A_242 = vector.broadcast %and3A_241 : i32 to vector<16xi32>
        %and3A_243 = arith.andi %get3A_236, %and3A_242 : vector<16xi32>
        %bitcast_convert_type3A_244 = tpu.bitcast %and3A_243 : vector<16xi32> -> vector<16xf32>
        %swap3A_245 = arith.index_cast %scan3A_215 : i32 to index
        %swap3A_246 = arith.constant 32 : index
        %swap3A_247 = tpu.vector_load %arg11[%swap3A_245, %swap3A_246] {strides = array<i32>} : memref<128x64xf32, #tpu.memory_space<vmem>>, vector<1x16xf32>,
        %swap3A_248 = vector.shape_cast %swap3A_247 : vector<1x16xf32> to vector<16xf32>
        %swap3A_249 = vector.shape_cast %bitcast_convert_type3A_240 : vector<16xf32> to vector<1x16xf32>
        tpu.vector_store %arg11[%swap3A_245, %swap3A_246], %swap3A_249 {strides = array<i32>} : memref<128x64xf32, #tpu.memory_space<vmem>>, vector<1x16xf32>,
        %swap3A_250 = arith.index_cast %scan3A_215 : i32 to index
        %swap3A_251 = arith.constant 48 : index
        %swap3A_252 = tpu.vector_load %arg11[%swap3A_250, %swap3A_251] {strides = array<i32>} : memref<128x64xf32, #tpu.memory_space<vmem>>, vector<1x16xf32>,
        %swap3A_253 = vector.shape_cast %swap3A_252 : vector<1x16xf32> to vector<16xf32>
        %swap3A_254 = vector.shape_cast %bitcast_convert_type3A_244 : vector<16xf32> to vector<1x16xf32>
        tpu.vector_store %arg11[%swap3A_250, %swap3A_251], %swap3A_254 {strides = array<i32>} : memref<128x64xf32, #tpu.memory_space<vmem>>, vector<1x16xf32>,
      }
      %scan3A_168 = arith.constant 128 : i32
      %dma_start3A_169 = arith.constant 0 : i32
      %dma_start3A_170 = tpu.memref_slice %arg8[%add3A_154, %dma_start3A_169] : memref<80x128xi32, #tpu.memory_space<vmem>> -> memref<1x128xi32, #tpu.memory_space<vmem>>
      %dma_start3A_171 = tpu.memref_squeeze %dma_start3A_170 : memref<1x128xi32, #tpu.memory_space<vmem>> -> memref<128xi32, #tpu.memory_space<vmem>>
      %dma_start3A_172 = arith.constant 0 : i32
      %dma_start3A_173 = arith.constant 0 : i32
      %dma_start3A_174 = tpu.memref_slice %arg16[%dma_start3A_172, %dma_start3A_173] : memref<10240x64xf32, #tpu.memory_space<vmem_shared>> -> memref<10240x64xf32, #tpu.memory_space<vmem_shared>>
      tpu.enqueue_indirect_dma source(%arg11 : memref<128x64xf32, #tpu.memory_space<vmem>>) target(%dma_start3A_174 : memref<10240x64xf32, #tpu.memory_space<vmem_shared>>) offsets(%dma_start3A_171 : memref<128xi32, #tpu.memory_space<vmem>>) semaphore(%arg19 : memref<!tpu.dma_semaphore, #tpu.memory_space<semaphore_mem>>) {add = true}
      %add3A_175 = arith.constant 2 : i32
      %add3A_176 = arith.addi %add3A_154, %add3A_175 : i32
      %lt3A = arith.constant 80 : i32
      %lt3A_177 = arith.cmpi slt, %add3A_176, %lt3A : i32
      %convert_element_type3A_178 = arith.extui %lt3A_177 : i1 to i32
      %cond3A_179 = arith.constant 0 : i32
      %cond3A_180 = arith.cmpi ne, %convert_element_type3A_178, %cond3A_179 : i32
      scf.if %cond3A_180 {
        %dma_start3A_215 = arith.constant 0 : i32
        %dma_start3A_216 = tpu.memref_slice %arg7[%add3A_176, %dma_start3A_215] : memref<80x128xi32, #tpu.memory_space<vmem>> -> memref<1x128xi32, #tpu.memory_space<vmem>>
        %dma_start3A_217 = tpu.memref_squeeze %dma_start3A_216 : memref<1x128xi32, #tpu.memory_space<vmem>> -> memref<128xi32, #tpu.memory_space<vmem>>
        %dma_start3A_218 = arith.constant 0 : i32
        %dma_start3A_219 = arith.constant 0 : i32
        %dma_start3A_220 = tpu.memref_slice %arg15[%dma_start3A_218, %dma_start3A_219] : memref<10240x32xi32, #tpu.memory_space<vmem_shared>> -> memref<10240x32xi32, #tpu.memory_space<vmem_shared>>
        tpu.enqueue_indirect_dma source(%dma_start3A_220 : memref<10240x32xi32, #tpu.memory_space<vmem_shared>>) target(%arg9 : memref<128x32xi32, #tpu.memory_space<vmem>>) offsets(%dma_start3A_217 : memref<128xi32, #tpu.memory_space<vmem>>) semaphore(%arg17 : memref<!tpu.dma_semaphore, #tpu.memory_space<semaphore_mem>>)
      } else {
      }
      %mul3A_181 = arith.constant 2 : i32
      %mul3A_182 = arith.muli %mul3A_181, %scan3A_150 : i32
      %add3A_183 = arith.constant 1 : i32
      %add3A_184 = arith.addi %mul3A_182, %add3A_183 : i32
      %dma_wait3A_185 = arith.constant 0 : i32
      %dma_wait3A_186 = tpu.memref_slice %arg7[%add3A_184, %dma_wait3A_185] : memref<80x128xi32, #tpu.memory_space<vmem>> -> memref<1x128xi32, #tpu.memory_space<vmem>>
      %dma_wait3A_187 = tpu.memref_squeeze %dma_wait3A_186 : memref<1x128xi32, #tpu.memory_space<vmem>> -> memref<128xi32, #tpu.memory_space<vmem>>
      %dma_wait3A_188 = arith.constant 0 : i32
      %dma_wait3A_189 = arith.constant 0 : i32
      %dma_wait3A_190 = tpu.memref_slice %arg15[%dma_wait3A_188, %dma_wait3A_189] : memref<10240x32xi32, #tpu.memory_space<vmem_shared>> -> memref<10240x32xi32, #tpu.memory_space<vmem_shared>>
      tpu.wait_indirect_dma semaphore(%arg18 : memref<!tpu.dma_semaphore, #tpu.memory_space<semaphore_mem>>) src(%dma_wait3A_190 : memref<10240x32xi32, #tpu.memory_space<vmem_shared>>) dst(%arg10 : memref<128x32xi32, #tpu.memory_space<vmem>>)
      %ge3A_191 = arith.constant 2 : i32
      %ge3A_192 = arith.cmpi sge, %add3A_184, %ge3A_191 : i32
      %convert_element_type3A_193 = arith.extui %ge3A_192 : i1 to i32
      %cond3A_194 = arith.constant 0 : i32
      %cond3A_195 = arith.cmpi ne, %convert_element_type3A_193, %cond3A_194 : i32
      scf.if %cond3A_195 {
        %dma_wait3A_215 = arith.constant 0 : i32
        %dma_wait3A_216 = tpu.memref_slice %arg8[%add3A_184, %dma_wait3A_215] : memref<80x128xi32, #tpu.memory_space<vmem>> -> memref<1x128xi32, #tpu.memory_space<vmem>>
        %dma_wait3A_217 = tpu.memref_squeeze %dma_wait3A_216 : memref<1x128xi32, #tpu.memory_space<vmem>> -> memref<128xi32, #tpu.memory_space<vmem>>
        %dma_wait3A_218 = arith.constant 0 : i32
        %dma_wait3A_219 = arith.constant 0 : i32
        %dma_wait3A_220 = tpu.memref_slice %arg16[%dma_wait3A_218, %dma_wait3A_219] : memref<10240x64xf32, #tpu.memory_space<vmem_shared>> -> memref<10240x64xf32, #tpu.memory_space<vmem_shared>>
        tpu.wait_indirect_dma semaphore(%arg20 : memref<!tpu.dma_semaphore, #tpu.memory_space<semaphore_mem>>) src(%arg12 : memref<128x64xf32, #tpu.memory_space<vmem>>) dst(%dma_wait3A_220 : memref<10240x64xf32, #tpu.memory_space<vmem_shared>>)
      } else {
      }
      %scan3A_196 = arith.constant 0 : i32
      %scan3A_197 = arith.constant 0 : i32
      %scan3A_198 = arith.constant 128 : i32
      %scan3A_199 = arith.addi %scan3A_197, %scan3A_198 : i32
      %scan3A_200 = arith.constant 1 : i32
      scf.for %scan3A_215 = %scan3A_197 to %scan3A_199 step %scan3A_200  : i32 {
        %get3A = arith.index_cast %scan3A_215 : i32 to index
        %get3A_216 = arith.constant 0 : index
        %get3A_217 = tpu.vector_load %arg10[%get3A, %get3A_216] {strides = array<i32>} : memref<128x32xi32, #tpu.memory_space<vmem>>, vector<1x16xi32>,
        %get3A_218 = vector.shape_cast %get3A_217 : vector<1x16xi32> to vector<16xi32>
        %shift_left3A = arith.constant 16 : i32
        %shift_left3A_219 = vector.broadcast %shift_left3A : i32 to vector<16xi32>
        %shift_left3A_220 = arith.shli %get3A_218, %shift_left3A_219 : vector<16xi32>
        %bitcast_convert_type3A = tpu.bitcast %shift_left3A_220 : vector<16xi32> -> vector<16xf32>
        %and3A = arith.constant -65536 : i32
        %and3A_221 = vector.broadcast %and3A : i32 to vector<16xi32>
        %and3A_222 = arith.andi %get3A_218, %and3A_221 : vector<16xi32>
        %bitcast_convert_type3A_223 = tpu.bitcast %and3A_222 : vector<16xi32> -> vector<16xf32>
        %swap3A = arith.index_cast %scan3A_215 : i32 to index
        %swap3A_224 = arith.constant 0 : index
        %swap3A_225 = tpu.vector_load %arg12[%swap3A, %swap3A_224] {strides = array<i32>} : memref<128x64xf32, #tpu.memory_space<vmem>>, vector<1x16xf32>,
        %swap3A_226 = vector.shape_cast %swap3A_225 : vector<1x16xf32> to vector<16xf32>
        %swap3A_227 = vector.shape_cast %bitcast_convert_type3A : vector<16xf32> to vector<1x16xf32>
        tpu.vector_store %arg12[%swap3A, %swap3A_224], %swap3A_227 {strides = array<i32>} : memref<128x64xf32, #tpu.memory_space<vmem>>, vector<1x16xf32>,
        %swap3A_228 = arith.index_cast %scan3A_215 : i32 to index
        %swap3A_229 = arith.constant 16 : index
        %swap3A_230 = tpu.vector_load %arg12[%swap3A_228, %swap3A_229] {strides = array<i32>} : memref<128x64xf32, #tpu.memory_space<vmem>>, vector<1x16xf32>,
        %swap3A_231 = vector.shape_cast %swap3A_230 : vector<1x16xf32> to vector<16xf32>
        %swap3A_232 = vector.shape_cast %bitcast_convert_type3A_223 : vector<16xf32> to vector<1x16xf32>
        tpu.vector_store %arg12[%swap3A_228, %swap3A_229], %swap3A_232 {strides = array<i32>} : memref<128x64xf32, #tpu.memory_space<vmem>>, vector<1x16xf32>,
        %get3A_233 = arith.index_cast %scan3A_215 : i32 to index
        %get3A_234 = arith.constant 16 : index
        %get3A_235 = tpu.vector_load %arg10[%get3A_233, %get3A_234] {strides = array<i32>} : memref<128x32xi32, #tpu.memory_space<vmem>>, vector<1x16xi32>,
        %get3A_236 = vector.shape_cast %get3A_235 : vector<1x16xi32> to vector<16xi32>
        %shift_left3A_237 = arith.constant 16 : i32
        %shift_left3A_238 = vector.broadcast %shift_left3A_237 : i32 to vector<16xi32>
        %shift_left3A_239 = arith.shli %get3A_236, %shift_left3A_238 : vector<16xi32>
        %bitcast_convert_type3A_240 = tpu.bitcast %shift_left3A_239 : vector<16xi32> -> vector<16xf32>
        %and3A_241 = arith.constant -65536 : i32
        %and3A_242 = vector.broadcast %and3A_241 : i32 to vector<16xi32>
        %and3A_243 = arith.andi %get3A_236, %and3A_242 : vector<16xi32>
        %bitcast_convert_type3A_244 = tpu.bitcast %and3A_243 : vector<16xi32> -> vector<16xf32>
        %swap3A_245 = arith.index_cast %scan3A_215 : i32 to index
        %swap3A_246 = arith.constant 32 : index
        %swap3A_247 = tpu.vector_load %arg12[%swap3A_245, %swap3A_246] {strides = array<i32>} : memref<128x64xf32, #tpu.memory_space<vmem>>, vector<1x16xf32>,
        %swap3A_248 = vector.shape_cast %swap3A_247 : vector<1x16xf32> to vector<16xf32>
        %swap3A_249 = vector.shape_cast %bitcast_convert_type3A_240 : vector<16xf32> to vector<1x16xf32>
        tpu.vector_store %arg12[%swap3A_245, %swap3A_246], %swap3A_249 {strides = array<i32>} : memref<128x64xf32, #tpu.memory_space<vmem>>, vector<1x16xf32>,
        %swap3A_250 = arith.index_cast %scan3A_215 : i32 to index
        %swap3A_251 = arith.constant 48 : index
        %swap3A_252 = tpu.vector_load %arg12[%swap3A_250, %swap3A_251] {strides = array<i32>} : memref<128x64xf32, #tpu.memory_space<vmem>>, vector<1x16xf32>,
        %swap3A_253 = vector.shape_cast %swap3A_252 : vector<1x16xf32> to vector<16xf32>
        %swap3A_254 = vector.shape_cast %bitcast_convert_type3A_244 : vector<16xf32> to vector<1x16xf32>
        tpu.vector_store %arg12[%swap3A_250, %swap3A_251], %swap3A_254 {strides = array<i32>} : memref<128x64xf32, #tpu.memory_space<vmem>>, vector<1x16xf32>,
      }
      %scan3A_201 = arith.constant 128 : i32
      %dma_start3A_202 = arith.constant 0 : i32
      %dma_start3A_203 = tpu.memref_slice %arg8[%add3A_184, %dma_start3A_202] : memref<80x128xi32, #tpu.memory_space<vmem>> -> memref<1x128xi32, #tpu.memory_space<vmem>>
      %dma_start3A_204 = tpu.memref_squeeze %dma_start3A_203 : memref<1x128xi32, #tpu.memory_space<vmem>> -> memref<128xi32, #tpu.memory_space<vmem>>
      %dma_start3A_205 = arith.constant 0 : i32
      %dma_start3A_206 = arith.constant 0 : i32
      %dma_start3A_207 = tpu.memref_slice %arg16[%dma_start3A_205, %dma_start3A_206] : memref<10240x64xf32, #tpu.memory_space<vmem_shared>> -> memref<10240x64xf32, #tpu.memory_space<vmem_shared>>
      tpu.enqueue_indirect_dma source(%arg12 : memref<128x64xf32, #tpu.memory_space<vmem>>) target(%dma_start3A_207 : memref<10240x64xf32, #tpu.memory_space<vmem_shared>>) offsets(%dma_start3A_204 : memref<128xi32, #tpu.memory_space<vmem>>) semaphore(%arg20 : memref<!tpu.dma_semaphore, #tpu.memory_space<semaphore_mem>>) {add = true}
      %add3A_208 = arith.constant 2 : i32
      %add3A_209 = arith.addi %add3A_184, %add3A_208 : i32
      %lt3A_210 = arith.constant 80 : i32
      %lt3A_211 = arith.cmpi slt, %add3A_209, %lt3A_210 : i32
      %convert_element_type3A_212 = arith.extui %lt3A_211 : i1 to i32
      %cond3A_213 = arith.constant 0 : i32
      %cond3A_214 = arith.cmpi ne, %convert_element_type3A_212, %cond3A_213 : i32
      scf.if %cond3A_214 {
        %dma_start3A_215 = arith.constant 0 : i32
        %dma_start3A_216 = tpu.memref_slice %arg7[%add3A_209, %dma_start3A_215] : memref<80x128xi32, #tpu.memory_space<vmem>> -> memref<1x128xi32, #tpu.memory_space<vmem>>
        %dma_start3A_217 = tpu.memref_squeeze %dma_start3A_216 : memref<1x128xi32, #tpu.memory_space<vmem>> -> memref<128xi32, #tpu.memory_space<vmem>>
        %dma_start3A_218 = arith.constant 0 : i32
        %dma_start3A_219 = arith.constant 0 : i32
        %dma_start3A_220 = tpu.memref_slice %arg15[%dma_start3A_218, %dma_start3A_219] : memref<10240x32xi32, #tpu.memory_space<vmem_shared>> -> memref<10240x32xi32, #tpu.memory_space<vmem_shared>>
        tpu.enqueue_indirect_dma source(%dma_start3A_220 : memref<10240x32xi32, #tpu.memory_space<vmem_shared>>) target(%arg10 : memref<128x32xi32, #tpu.memory_space<vmem>>) offsets(%dma_start3A_217 : memref<128xi32, #tpu.memory_space<vmem>>) semaphore(%arg18 : memref<!tpu.dma_semaphore, #tpu.memory_space<semaphore_mem>>)
      } else {
      }
    }
    %scan3A_58 = arith.constant 40 : i32
    %dma_wait3A = arith.constant 78 : i32
    %dma_wait3A_59 = arith.constant 0 : i32
    %dma_wait3A_60 = tpu.memref_slice %arg8[%dma_wait3A, %dma_wait3A_59] : memref<80x128xi32, #tpu.memory_space<vmem>> -> memref<1x128xi32, #tpu.memory_space<vmem>>
    %dma_wait3A_61 = tpu.memref_squeeze %dma_wait3A_60 : memref<1x128xi32, #tpu.memory_space<vmem>> -> memref<128xi32, #tpu.memory_space<vmem>>
    %dma_wait3A_62 = arith.constant 0 : i32
    %dma_wait3A_63 = arith.constant 0 : i32
    %dma_wait3A_64 = tpu.memref_slice %arg16[%dma_wait3A_62, %dma_wait3A_63] : memref<10240x64xf32, #tpu.memory_space<vmem_shared>> -> memref<10240x64xf32, #tpu.memory_space<vmem_shared>>
    tpu.wait_indirect_dma semaphore(%arg19 : memref<!tpu.dma_semaphore, #tpu.memory_space<semaphore_mem>>) src(%arg11 : memref<128x64xf32, #tpu.memory_space<vmem>>) dst(%dma_wait3A_64 : memref<10240x64xf32, #tpu.memory_space<vmem_shared>>)
    %dma_wait3A_65 = arith.constant 79 : i32
    %dma_wait3A_66 = arith.constant 0 : i32
    %dma_wait3A_67 = tpu.memref_slice %arg8[%dma_wait3A_65, %dma_wait3A_66] : memref<80x128xi32, #tpu.memory_space<vmem>> -> memref<1x128xi32, #tpu.memory_space<vmem>>
    %dma_wait3A_68 = tpu.memref_squeeze %dma_wait3A_67 : memref<1x128xi32, #tpu.memory_space<vmem>> -> memref<128xi32, #tpu.memory_space<vmem>>
    %dma_wait3A_69 = arith.constant 0 : i32
    %dma_wait3A_70 = arith.constant 0 : i32
    %dma_wait3A_71 = tpu.memref_slice %arg16[%dma_wait3A_69, %dma_wait3A_70] : memref<10240x64xf32, #tpu.memory_space<vmem_shared>> -> memref<10240x64xf32, #tpu.memory_space<vmem_shared>>
    tpu.wait_indirect_dma semaphore(%arg20 : memref<!tpu.dma_semaphore, #tpu.memory_space<semaphore_mem>>) src(%arg12 : memref<128x64xf32, #tpu.memory_space<vmem>>) dst(%dma_wait3A_71 : memref<10240x64xf32, #tpu.memory_space<vmem_shared>>)
    %mul3A_72 = arith.constant 160 : i32
    %mul3A_73 = arith.muli %arg1, %mul3A_72 : i32
    %add3A_74 = arith.constant 80 : i32
    %add3A_75 = arith.addi %mul3A_73, %add3A_74 : i32
    "tpu.region"() ({
      %run_scoped3A = tpu.sem_alloc : memref<!tpu.dma_semaphore, #tpu.memory_space<semaphore_mem>>
      %dma_start3A_150 = arith.constant 0 : i32
      %dma_start3A_151 = tpu.memref_slice %arg3[%add3A_75, %dma_start3A_150] : memref<2560x128xi32, #tpu.memory_space<hbm>> -> memref<80x128xi32, #tpu.memory_space<hbm>>
      %dma_start3A_152 = arith.constant 0 : i32
      %dma_start3A_153 = tpu.memref_slice %arg3[%add3A_75, %dma_start3A_152] : memref<2560x128xi32, #tpu.memory_space<hbm>> -> memref<80x128xi32, #tpu.memory_space<hbm>>
      tpu.enqueue_dma source(%dma_start3A_153 : memref<80x128xi32, #tpu.memory_space<hbm>>) target(%arg7 : memref<80x128xi32, #tpu.memory_space<vmem>>) target_semaphore(%run_scoped3A : memref<!tpu.dma_semaphore, #tpu.memory_space<semaphore_mem>>)
      %dma_wait3A_154 = arith.constant 0 : i32
      %dma_wait3A_155 = tpu.memref_slice %arg3[%add3A_75, %dma_wait3A_154] : memref<2560x128xi32, #tpu.memory_space<hbm>> -> memref<80x128xi32, #tpu.memory_space<hbm>>
      %dma_wait3A_156 = arith.constant 0 : i32
      %dma_wait3A_157 = tpu.memref_slice %arg3[%add3A_75, %dma_wait3A_156] : memref<2560x128xi32, #tpu.memory_space<hbm>> -> memref<80x128xi32, #tpu.memory_space<hbm>>
      tpu.wait_dma2 semaphore(%run_scoped3A : memref<!tpu.dma_semaphore, #tpu.memory_space<semaphore_mem>>) src(%dma_wait3A_157 : memref<80x128xi32, #tpu.memory_space<hbm>>) dst(%arg7 : memref<80x128xi32, #tpu.memory_space<vmem>>)
      tpu.yield
    }) : () -> ()
    %mul3A_76 = arith.constant 160 : i32
    %mul3A_77 = arith.muli %arg1, %mul3A_76 : i32
    %add3A_78 = arith.constant 80 : i32
    %add3A_79 = arith.addi %mul3A_77, %add3A_78 : i32
    "tpu.region"() ({
      %run_scoped3A = tpu.sem_alloc : memref<!tpu.dma_semaphore, #tpu.memory_space<semaphore_mem>>
      %dma_start3A_150 = arith.constant 0 : i32
      %dma_start3A_151 = tpu.memref_slice %arg4[%add3A_79, %dma_start3A_150] : memref<2560x128xi32, #tpu.memory_space<hbm>> -> memref<80x128xi32, #tpu.memory_space<hbm>>
      %dma_start3A_152 = arith.constant 0 : i32
      %dma_start3A_153 = tpu.memref_slice %arg4[%add3A_79, %dma_start3A_152] : memref<2560x128xi32, #tpu.memory_space<hbm>> -> memref<80x128xi32, #tpu.memory_space<hbm>>
      tpu.enqueue_dma source(%dma_start3A_153 : memref<80x128xi32, #tpu.memory_space<hbm>>) target(%arg8 : memref<80x128xi32, #tpu.memory_space<vmem>>) target_semaphore(%run_scoped3A : memref<!tpu.dma_semaphore, #tpu.memory_space<semaphore_mem>>)
      %dma_wait3A_154 = arith.constant 0 : i32
      %dma_wait3A_155 = tpu.memref_slice %arg4[%add3A_79, %dma_wait3A_154] : memref<2560x128xi32, #tpu.memory_space<hbm>> -> memref<80x128xi32, #tpu.memory_space<hbm>>
      %dma_wait3A_156 = arith.constant 0 : i32
      %dma_wait3A_157 = tpu.memref_slice %arg4[%add3A_79, %dma_wait3A_156] : memref<2560x128xi32, #tpu.memory_space<hbm>> -> memref<80x128xi32, #tpu.memory_space<hbm>>
      tpu.wait_dma2 semaphore(%run_scoped3A : memref<!tpu.dma_semaphore, #tpu.memory_space<semaphore_mem>>) src(%dma_wait3A_157 : memref<80x128xi32, #tpu.memory_space<hbm>>) dst(%arg8 : memref<80x128xi32, #tpu.memory_space<vmem>>)
      tpu.yield
    }) : () -> ()
    %dma_start3A_80 = arith.constant 0 : i32
    %dma_start3A_81 = arith.constant 0 : i32
    %dma_start3A_82 = tpu.memref_slice %arg7[%dma_start3A_80, %dma_start3A_81] : memref<80x128xi32, #tpu.memory_space<vmem>> -> memref<1x128xi32, #tpu.memory_space<vmem>>
    %dma_start3A_83 = tpu.memref_squeeze %dma_start3A_82 : memref<1x128xi32, #tpu.memory_space<vmem>> -> memref<128xi32, #tpu.memory_space<vmem>>
    %dma_start3A_84 = arith.constant 0 : i32
    %dma_start3A_85 = arith.constant 0 : i32
    %dma_start3A_86 = tpu.memref_slice %arg15[%dma_start3A_84, %dma_start3A_85] : memref<10240x32xi32, #tpu.memory_space<vmem_shared>> -> memref<10240x32xi32, #tpu.memory_space<vmem_shared>>
    tpu.enqueue_indirect_dma source(%dma_start3A_86 : memref<10240x32xi32, #tpu.memory_space<vmem_shared>>) target(%arg9 : memref<128x32xi32, #tpu.memory_space<vmem>>) offsets(%dma_start3A_83 : memref<128xi32, #tpu.memory_space<vmem>>) semaphore(%arg17 : memref<!tpu.dma_semaphore, #tpu.memory_space<semaphore_mem>>)
    %dma_start3A_87 = arith.constant 1 : i32
    %dma_start3A_88 = arith.constant 0 : i32
    %dma_start3A_89 = tpu.memref_slice %arg7[%dma_start3A_87, %dma_start3A_88] : memref<80x128xi32, #tpu.memory_space<vmem>> -> memref<1x128xi32, #tpu.memory_space<vmem>>
    %dma_start3A_90 = tpu.memref_squeeze %dma_start3A_89 : memref<1x128xi32, #tpu.memory_space<vmem>> -> memref<128xi32, #tpu.memory_space<vmem>>
    %dma_start3A_91 = arith.constant 0 : i32
    %dma_start3A_92 = arith.constant 0 : i32
    %dma_start3A_93 = tpu.memref_slice %arg15[%dma_start3A_91, %dma_start3A_92] : memref<10240x32xi32, #tpu.memory_space<vmem_shared>> -> memref<10240x32xi32, #tpu.memory_space<vmem_shared>>
    tpu.enqueue_indirect_dma source(%dma_start3A_93 : memref<10240x32xi32, #tpu.memory_space<vmem_shared>>) target(%arg10 : memref<128x32xi32, #tpu.memory_space<vmem>>) offsets(%dma_start3A_90 : memref<128xi32, #tpu.memory_space<vmem>>) semaphore(%arg18 : memref<!tpu.dma_semaphore, #tpu.memory_space<semaphore_mem>>)
    %scan3A_94 = arith.constant 0 : i32
    %scan3A_95 = arith.constant 0 : i32
    %scan3A_96 = arith.constant 40 : i32
    %scan3A_97 = arith.addi %scan3A_95, %scan3A_96 : i32
    %scan3A_98 = arith.constant 1 : i32
    scf.for %scan3A_150 = %scan3A_95 to %scan3A_97 step %scan3A_98  : i32 {
      %mul3A_151 = arith.constant 2 : i32
      %mul3A_152 = arith.muli %mul3A_151, %scan3A_150 : i32
      %add3A_153 = arith.constant 0 : i32
      %add3A_154 = arith.addi %mul3A_152, %add3A_153 : i32
      %dma_wait3A_155 = arith.constant 0 : i32
      %dma_wait3A_156 = tpu.memref_slice %arg7[%add3A_154, %dma_wait3A_155] : memref<80x128xi32, #tpu.memory_space<vmem>> -> memref<1x128xi32, #tpu.memory_space<vmem>>
      %dma_wait3A_157 = tpu.memref_squeeze %dma_wait3A_156 : memref<1x128xi32, #tpu.memory_space<vmem>> -> memref<128xi32, #tpu.memory_space<vmem>>
      %dma_wait3A_158 = arith.constant 0 : i32
      %dma_wait3A_159 = arith.constant 0 : i32
      %dma_wait3A_160 = tpu.memref_slice %arg15[%dma_wait3A_158, %dma_wait3A_159] : memref<10240x32xi32, #tpu.memory_space<vmem_shared>> -> memref<10240x32xi32, #tpu.memory_space<vmem_shared>>
      tpu.wait_indirect_dma semaphore(%arg17 : memref<!tpu.dma_semaphore, #tpu.memory_space<semaphore_mem>>) src(%dma_wait3A_160 : memref<10240x32xi32, #tpu.memory_space<vmem_shared>>) dst(%arg9 : memref<128x32xi32, #tpu.memory_space<vmem>>)
      %ge3A = arith.constant 2 : i32
      %ge3A_161 = arith.cmpi sge, %add3A_154, %ge3A : i32
      %convert_element_type3A = arith.extui %ge3A_161 : i1 to i32
      %cond3A = arith.constant 0 : i32
      %cond3A_162 = arith.cmpi ne, %convert_element_type3A, %cond3A : i32
      scf.if %cond3A_162 {
        %dma_wait3A_215 = arith.constant 0 : i32
        %dma_wait3A_216 = tpu.memref_slice %arg8[%add3A_154, %dma_wait3A_215] : memref<80x128xi32, #tpu.memory_space<vmem>> -> memref<1x128xi32, #tpu.memory_space<vmem>>
        %dma_wait3A_217 = tpu.memref_squeeze %dma_wait3A_216 : memref<1x128xi32, #tpu.memory_space<vmem>> -> memref<128xi32, #tpu.memory_space<vmem>>
        %dma_wait3A_218 = arith.constant 0 : i32
        %dma_wait3A_219 = arith.constant 0 : i32
        %dma_wait3A_220 = tpu.memref_slice %arg16[%dma_wait3A_218, %dma_wait3A_219] : memref<10240x64xf32, #tpu.memory_space<vmem_shared>> -> memref<10240x64xf32, #tpu.memory_space<vmem_shared>>
        tpu.wait_indirect_dma semaphore(%arg19 : memref<!tpu.dma_semaphore, #tpu.memory_space<semaphore_mem>>) src(%arg11 : memref<128x64xf32, #tpu.memory_space<vmem>>) dst(%dma_wait3A_220 : memref<10240x64xf32, #tpu.memory_space<vmem_shared>>)
      } else {
      }
      %scan3A_163 = arith.constant 0 : i32
      %scan3A_164 = arith.constant 0 : i32
      %scan3A_165 = arith.constant 128 : i32
      %scan3A_166 = arith.addi %scan3A_164, %scan3A_165 : i32
      %scan3A_167 = arith.constant 1 : i32
      scf.for %scan3A_215 = %scan3A_164 to %scan3A_166 step %scan3A_167  : i32 {
        %get3A = arith.index_cast %scan3A_215 : i32 to index
        %get3A_216 = arith.constant 0 : index
        %get3A_217 = tpu.vector_load %arg9[%get3A, %get3A_216] {strides = array<i32>} : memref<128x32xi32, #tpu.memory_space<vmem>>, vector<1x16xi32>,
        %get3A_218 = vector.shape_cast %get3A_217 : vector<1x16xi32> to vector<16xi32>
        %shift_left3A = arith.constant 16 : i32
        %shift_left3A_219 = vector.broadcast %shift_left3A : i32 to vector<16xi32>
        %shift_left3A_220 = arith.shli %get3A_218, %shift_left3A_219 : vector<16xi32>
        %bitcast_convert_type3A = tpu.bitcast %shift_left3A_220 : vector<16xi32> -> vector<16xf32>
        %and3A = arith.constant -65536 : i32
        %and3A_221 = vector.broadcast %and3A : i32 to vector<16xi32>
        %and3A_222 = arith.andi %get3A_218, %and3A_221 : vector<16xi32>
        %bitcast_convert_type3A_223 = tpu.bitcast %and3A_222 : vector<16xi32> -> vector<16xf32>
        %swap3A = arith.index_cast %scan3A_215 : i32 to index
        %swap3A_224 = arith.constant 0 : index
        %swap3A_225 = tpu.vector_load %arg11[%swap3A, %swap3A_224] {strides = array<i32>} : memref<128x64xf32, #tpu.memory_space<vmem>>, vector<1x16xf32>,
        %swap3A_226 = vector.shape_cast %swap3A_225 : vector<1x16xf32> to vector<16xf32>
        %swap3A_227 = vector.shape_cast %bitcast_convert_type3A : vector<16xf32> to vector<1x16xf32>
        tpu.vector_store %arg11[%swap3A, %swap3A_224], %swap3A_227 {strides = array<i32>} : memref<128x64xf32, #tpu.memory_space<vmem>>, vector<1x16xf32>,
        %swap3A_228 = arith.index_cast %scan3A_215 : i32 to index
        %swap3A_229 = arith.constant 16 : index
        %swap3A_230 = tpu.vector_load %arg11[%swap3A_228, %swap3A_229] {strides = array<i32>} : memref<128x64xf32, #tpu.memory_space<vmem>>, vector<1x16xf32>,
        %swap3A_231 = vector.shape_cast %swap3A_230 : vector<1x16xf32> to vector<16xf32>
        %swap3A_232 = vector.shape_cast %bitcast_convert_type3A_223 : vector<16xf32> to vector<1x16xf32>
        tpu.vector_store %arg11[%swap3A_228, %swap3A_229], %swap3A_232 {strides = array<i32>} : memref<128x64xf32, #tpu.memory_space<vmem>>, vector<1x16xf32>,
        %get3A_233 = arith.index_cast %scan3A_215 : i32 to index
        %get3A_234 = arith.constant 16 : index
        %get3A_235 = tpu.vector_load %arg9[%get3A_233, %get3A_234] {strides = array<i32>} : memref<128x32xi32, #tpu.memory_space<vmem>>, vector<1x16xi32>,
        %get3A_236 = vector.shape_cast %get3A_235 : vector<1x16xi32> to vector<16xi32>
        %shift_left3A_237 = arith.constant 16 : i32
        %shift_left3A_238 = vector.broadcast %shift_left3A_237 : i32 to vector<16xi32>
        %shift_left3A_239 = arith.shli %get3A_236, %shift_left3A_238 : vector<16xi32>
        %bitcast_convert_type3A_240 = tpu.bitcast %shift_left3A_239 : vector<16xi32> -> vector<16xf32>
        %and3A_241 = arith.constant -65536 : i32
        %and3A_242 = vector.broadcast %and3A_241 : i32 to vector<16xi32>
        %and3A_243 = arith.andi %get3A_236, %and3A_242 : vector<16xi32>
        %bitcast_convert_type3A_244 = tpu.bitcast %and3A_243 : vector<16xi32> -> vector<16xf32>
        %swap3A_245 = arith.index_cast %scan3A_215 : i32 to index
        %swap3A_246 = arith.constant 32 : index
        %swap3A_247 = tpu.vector_load %arg11[%swap3A_245, %swap3A_246] {strides = array<i32>} : memref<128x64xf32, #tpu.memory_space<vmem>>, vector<1x16xf32>,
        %swap3A_248 = vector.shape_cast %swap3A_247 : vector<1x16xf32> to vector<16xf32>
        %swap3A_249 = vector.shape_cast %bitcast_convert_type3A_240 : vector<16xf32> to vector<1x16xf32>
        tpu.vector_store %arg11[%swap3A_245, %swap3A_246], %swap3A_249 {strides = array<i32>} : memref<128x64xf32, #tpu.memory_space<vmem>>, vector<1x16xf32>,
        %swap3A_250 = arith.index_cast %scan3A_215 : i32 to index
        %swap3A_251 = arith.constant 48 : index
        %swap3A_252 = tpu.vector_load %arg11[%swap3A_250, %swap3A_251] {strides = array<i32>} : memref<128x64xf32, #tpu.memory_space<vmem>>, vector<1x16xf32>,
        %swap3A_253 = vector.shape_cast %swap3A_252 : vector<1x16xf32> to vector<16xf32>
        %swap3A_254 = vector.shape_cast %bitcast_convert_type3A_244 : vector<16xf32> to vector<1x16xf32>
        tpu.vector_store %arg11[%swap3A_250, %swap3A_251], %swap3A_254 {strides = array<i32>} : memref<128x64xf32, #tpu.memory_space<vmem>>, vector<1x16xf32>,
      }
      %scan3A_168 = arith.constant 128 : i32
      %dma_start3A_169 = arith.constant 0 : i32
      %dma_start3A_170 = tpu.memref_slice %arg8[%add3A_154, %dma_start3A_169] : memref<80x128xi32, #tpu.memory_space<vmem>> -> memref<1x128xi32, #tpu.memory_space<vmem>>
      %dma_start3A_171 = tpu.memref_squeeze %dma_start3A_170 : memref<1x128xi32, #tpu.memory_space<vmem>> -> memref<128xi32, #tpu.memory_space<vmem>>
      %dma_start3A_172 = arith.constant 0 : i32
      %dma_start3A_173 = arith.constant 0 : i32
      %dma_start3A_174 = tpu.memref_slice %arg16[%dma_start3A_172, %dma_start3A_173] : memref<10240x64xf32, #tpu.memory_space<vmem_shared>> -> memref<10240x64xf32, #tpu.memory_space<vmem_shared>>
      tpu.enqueue_indirect_dma source(%arg11 : memref<128x64xf32, #tpu.memory_space<vmem>>) target(%dma_start3A_174 : memref<10240x64xf32, #tpu.memory_space<vmem_shared>>) offsets(%dma_start3A_171 : memref<128xi32, #tpu.memory_space<vmem>>) semaphore(%arg19 : memref<!tpu.dma_semaphore, #tpu.memory_space<semaphore_mem>>) {add = true}
      %add3A_175 = arith.constant 2 : i32
      %add3A_176 = arith.addi %add3A_154, %add3A_175 : i32
      %lt3A = arith.constant 80 : i32
      %lt3A_177 = arith.cmpi slt, %add3A_176, %lt3A : i32
      %convert_element_type3A_178 = arith.extui %lt3A_177 : i1 to i32
      %cond3A_179 = arith.constant 0 : i32
      %cond3A_180 = arith.cmpi ne, %convert_element_type3A_178, %cond3A_179 : i32
      scf.if %cond3A_180 {
        %dma_start3A_215 = arith.constant 0 : i32
        %dma_start3A_216 = tpu.memref_slice %arg7[%add3A_176, %dma_start3A_215] : memref<80x128xi32, #tpu.memory_space<vmem>> -> memref<1x128xi32, #tpu.memory_space<vmem>>
        %dma_start3A_217 = tpu.memref_squeeze %dma_start3A_216 : memref<1x128xi32, #tpu.memory_space<vmem>> -> memref<128xi32, #tpu.memory_space<vmem>>
        %dma_start3A_218 = arith.constant 0 : i32
        %dma_start3A_219 = arith.constant 0 : i32
        %dma_start3A_220 = tpu.memref_slice %arg15[%dma_start3A_218, %dma_start3A_219] : memref<10240x32xi32, #tpu.memory_space<vmem_shared>> -> memref<10240x32xi32, #tpu.memory_space<vmem_shared>>
        tpu.enqueue_indirect_dma source(%dma_start3A_220 : memref<10240x32xi32, #tpu.memory_space<vmem_shared>>) target(%arg9 : memref<128x32xi32, #tpu.memory_space<vmem>>) offsets(%dma_start3A_217 : memref<128xi32, #tpu.memory_space<vmem>>) semaphore(%arg17 : memref<!tpu.dma_semaphore, #tpu.memory_space<semaphore_mem>>)
      } else {
      }
      %mul3A_181 = arith.constant 2 : i32
      %mul3A_182 = arith.muli %mul3A_181, %scan3A_150 : i32
      %add3A_183 = arith.constant 1 : i32
      %add3A_184 = arith.addi %mul3A_182, %add3A_183 : i32
      %dma_wait3A_185 = arith.constant 0 : i32
      %dma_wait3A_186 = tpu.memref_slice %arg7[%add3A_184, %dma_wait3A_185] : memref<80x128xi32, #tpu.memory_space<vmem>> -> memref<1x128xi32, #tpu.memory_space<vmem>>
      %dma_wait3A_187 = tpu.memref_squeeze %dma_wait3A_186 : memref<1x128xi32, #tpu.memory_space<vmem>> -> memref<128xi32, #tpu.memory_space<vmem>>
      %dma_wait3A_188 = arith.constant 0 : i32
      %dma_wait3A_189 = arith.constant 0 : i32
      %dma_wait3A_190 = tpu.memref_slice %arg15[%dma_wait3A_188, %dma_wait3A_189] : memref<10240x32xi32, #tpu.memory_space<vmem_shared>> -> memref<10240x32xi32, #tpu.memory_space<vmem_shared>>
      tpu.wait_indirect_dma semaphore(%arg18 : memref<!tpu.dma_semaphore, #tpu.memory_space<semaphore_mem>>) src(%dma_wait3A_190 : memref<10240x32xi32, #tpu.memory_space<vmem_shared>>) dst(%arg10 : memref<128x32xi32, #tpu.memory_space<vmem>>)
      %ge3A_191 = arith.constant 2 : i32
      %ge3A_192 = arith.cmpi sge, %add3A_184, %ge3A_191 : i32
      %convert_element_type3A_193 = arith.extui %ge3A_192 : i1 to i32
      %cond3A_194 = arith.constant 0 : i32
      %cond3A_195 = arith.cmpi ne, %convert_element_type3A_193, %cond3A_194 : i32
      scf.if %cond3A_195 {
        %dma_wait3A_215 = arith.constant 0 : i32
        %dma_wait3A_216 = tpu.memref_slice %arg8[%add3A_184, %dma_wait3A_215] : memref<80x128xi32, #tpu.memory_space<vmem>> -> memref<1x128xi32, #tpu.memory_space<vmem>>
        %dma_wait3A_217 = tpu.memref_squeeze %dma_wait3A_216 : memref<1x128xi32, #tpu.memory_space<vmem>> -> memref<128xi32, #tpu.memory_space<vmem>>
        %dma_wait3A_218 = arith.constant 0 : i32
        %dma_wait3A_219 = arith.constant 0 : i32
        %dma_wait3A_220 = tpu.memref_slice %arg16[%dma_wait3A_218, %dma_wait3A_219] : memref<10240x64xf32, #tpu.memory_space<vmem_shared>> -> memref<10240x64xf32, #tpu.memory_space<vmem_shared>>
        tpu.wait_indirect_dma semaphore(%arg20 : memref<!tpu.dma_semaphore, #tpu.memory_space<semaphore_mem>>) src(%arg12 : memref<128x64xf32, #tpu.memory_space<vmem>>) dst(%dma_wait3A_220 : memref<10240x64xf32, #tpu.memory_space<vmem_shared>>)
      } else {
      }
      %scan3A_196 = arith.constant 0 : i32
      %scan3A_197 = arith.constant 0 : i32
      %scan3A_198 = arith.constant 128 : i32
      %scan3A_199 = arith.addi %scan3A_197, %scan3A_198 : i32
      %scan3A_200 = arith.constant 1 : i32
      scf.for %scan3A_215 = %scan3A_197 to %scan3A_199 step %scan3A_200  : i32 {
        %get3A = arith.index_cast %scan3A_215 : i32 to index
        %get3A_216 = arith.constant 0 : index
        %get3A_217 = tpu.vector_load %arg10[%get3A, %get3A_216] {strides = array<i32>} : memref<128x32xi32, #tpu.memory_space<vmem>>, vector<1x16xi32>,
        %get3A_218 = vector.shape_cast %get3A_217 : vector<1x16xi32> to vector<16xi32>
        %shift_left3A = arith.constant 16 : i32
        %shift_left3A_219 = vector.broadcast %shift_left3A : i32 to vector<16xi32>
        %shift_left3A_220 = arith.shli %get3A_218, %shift_left3A_219 : vector<16xi32>
        %bitcast_convert_type3A = tpu.bitcast %shift_left3A_220 : vector<16xi32> -> vector<16xf32>
        %and3A = arith.constant -65536 : i32
        %and3A_221 = vector.broadcast %and3A : i32 to vector<16xi32>
        %and3A_222 = arith.andi %get3A_218, %and3A_221 : vector<16xi32>
        %bitcast_convert_type3A_223 = tpu.bitcast %and3A_222 : vector<16xi32> -> vector<16xf32>
        %swap3A = arith.index_cast %scan3A_215 : i32 to index
        %swap3A_224 = arith.constant 0 : index
        %swap3A_225 = tpu.vector_load %arg12[%swap3A, %swap3A_224] {strides = array<i32>} : memref<128x64xf32, #tpu.memory_space<vmem>>, vector<1x16xf32>,
        %swap3A_226 = vector.shape_cast %swap3A_225 : vector<1x16xf32> to vector<16xf32>
        %swap3A_227 = vector.shape_cast %bitcast_convert_type3A : vector<16xf32> to vector<1x16xf32>
        tpu.vector_store %arg12[%swap3A, %swap3A_224], %swap3A_227 {strides = array<i32>} : memref<128x64xf32, #tpu.memory_space<vmem>>, vector<1x16xf32>,
        %swap3A_228 = arith.index_cast %scan3A_215 : i32 to index
        %swap3A_229 = arith.constant 16 : index
        %swap3A_230 = tpu.vector_load %arg12[%swap3A_228, %swap3A_229] {strides = array<i32>} : memref<128x64xf32, #tpu.memory_space<vmem>>, vector<1x16xf32>,
        %swap3A_231 = vector.shape_cast %swap3A_230 : vector<1x16xf32> to vector<16xf32>
        %swap3A_232 = vector.shape_cast %bitcast_convert_type3A_223 : vector<16xf32> to vector<1x16xf32>
        tpu.vector_store %arg12[%swap3A_228, %swap3A_229], %swap3A_232 {strides = array<i32>} : memref<128x64xf32, #tpu.memory_space<vmem>>, vector<1x16xf32>,
        %get3A_233 = arith.index_cast %scan3A_215 : i32 to index
        %get3A_234 = arith.constant 16 : index
        %get3A_235 = tpu.vector_load %arg10[%get3A_233, %get3A_234] {strides = array<i32>} : memref<128x32xi32, #tpu.memory_space<vmem>>, vector<1x16xi32>,
        %get3A_236 = vector.shape_cast %get3A_235 : vector<1x16xi32> to vector<16xi32>
        %shift_left3A_237 = arith.constant 16 : i32
        %shift_left3A_238 = vector.broadcast %shift_left3A_237 : i32 to vector<16xi32>
        %shift_left3A_239 = arith.shli %get3A_236, %shift_left3A_238 : vector<16xi32>
        %bitcast_convert_type3A_240 = tpu.bitcast %shift_left3A_239 : vector<16xi32> -> vector<16xf32>
        %and3A_241 = arith.constant -65536 : i32
        %and3A_242 = vector.broadcast %and3A_241 : i32 to vector<16xi32>
        %and3A_243 = arith.andi %get3A_236, %and3A_242 : vector<16xi32>
        %bitcast_convert_type3A_244 = tpu.bitcast %and3A_243 : vector<16xi32> -> vector<16xf32>
        %swap3A_245 = arith.index_cast %scan3A_215 : i32 to index
        %swap3A_246 = arith.constant 32 : index
        %swap3A_247 = tpu.vector_load %arg12[%swap3A_245, %swap3A_246] {strides = array<i32>} : memref<128x64xf32, #tpu.memory_space<vmem>>, vector<1x16xf32>,
        %swap3A_248 = vector.shape_cast %swap3A_247 : vector<1x16xf32> to vector<16xf32>
        %swap3A_249 = vector.shape_cast %bitcast_convert_type3A_240 : vector<16xf32> to vector<1x16xf32>
        tpu.vector_store %arg12[%swap3A_245, %swap3A_246], %swap3A_249 {strides = array<i32>} : memref<128x64xf32, #tpu.memory_space<vmem>>, vector<1x16xf32>,
        %swap3A_250 = arith.index_cast %scan3A_215 : i32 to index
        %swap3A_251 = arith.constant 48 : index
        %swap3A_252 = tpu.vector_load %arg12[%swap3A_250, %swap3A_251] {strides = array<i32>} : memref<128x64xf32, #tpu.memory_space<vmem>>, vector<1x16xf32>,
        %swap3A_253 = vector.shape_cast %swap3A_252 : vector<1x16xf32> to vector<16xf32>
        %swap3A_254 = vector.shape_cast %bitcast_convert_type3A_244 : vector<16xf32> to vector<1x16xf32>
        tpu.vector_store %arg12[%swap3A_250, %swap3A_251], %swap3A_254 {strides = array<i32>} : memref<128x64xf32, #tpu.memory_space<vmem>>, vector<1x16xf32>,
      }
      %scan3A_201 = arith.constant 128 : i32
      %dma_start3A_202 = arith.constant 0 : i32
      %dma_start3A_203 = tpu.memref_slice %arg8[%add3A_184, %dma_start3A_202] : memref<80x128xi32, #tpu.memory_space<vmem>> -> memref<1x128xi32, #tpu.memory_space<vmem>>
      %dma_start3A_204 = tpu.memref_squeeze %dma_start3A_203 : memref<1x128xi32, #tpu.memory_space<vmem>> -> memref<128xi32, #tpu.memory_space<vmem>>
      %dma_start3A_205 = arith.constant 0 : i32
      %dma_start3A_206 = arith.constant 0 : i32
      %dma_start3A_207 = tpu.memref_slice %arg16[%dma_start3A_205, %dma_start3A_206] : memref<10240x64xf32, #tpu.memory_space<vmem_shared>> -> memref<10240x64xf32, #tpu.memory_space<vmem_shared>>
      tpu.enqueue_indirect_dma source(%arg12 : memref<128x64xf32, #tpu.memory_space<vmem>>) target(%dma_start3A_207 : memref<10240x64xf32, #tpu.memory_space<vmem_shared>>) offsets(%dma_start3A_204 : memref<128xi32, #tpu.memory_space<vmem>>) semaphore(%arg20 : memref<!tpu.dma_semaphore, #tpu.memory_space<semaphore_mem>>) {add = true}
      %add3A_208 = arith.constant 2 : i32
      %add3A_209 = arith.addi %add3A_184, %add3A_208 : i32
      %lt3A_210 = arith.constant 80 : i32
      %lt3A_211 = arith.cmpi slt, %add3A_209, %lt3A_210 : i32
      %convert_element_type3A_212 = arith.extui %lt3A_211 : i1 to i32
      %cond3A_213 = arith.constant 0 : i32
      %cond3A_214 = arith.cmpi ne, %convert_element_type3A_212, %cond3A_213 : i32
      scf.if %cond3A_214 {
        %dma_start3A_215 = arith.constant 0 : i32
        %dma_start3A_216 = tpu.memref_slice %arg7[%add3A_209, %dma_start3A_215] : memref<80x128xi32, #tpu.memory_space<vmem>> -> memref<1x128xi32, #tpu.memory_space<vmem>>
        %dma_start3A_217 = tpu.memref_squeeze %dma_start3A_216 : memref<1x128xi32, #tpu.memory_space<vmem>> -> memref<128xi32, #tpu.memory_space<vmem>>
        %dma_start3A_218 = arith.constant 0 : i32
        %dma_start3A_219 = arith.constant 0 : i32
        %dma_start3A_220 = tpu.memref_slice %arg15[%dma_start3A_218, %dma_start3A_219] : memref<10240x32xi32, #tpu.memory_space<vmem_shared>> -> memref<10240x32xi32, #tpu.memory_space<vmem_shared>>
        tpu.enqueue_indirect_dma source(%dma_start3A_220 : memref<10240x32xi32, #tpu.memory_space<vmem_shared>>) target(%arg10 : memref<128x32xi32, #tpu.memory_space<vmem>>) offsets(%dma_start3A_217 : memref<128xi32, #tpu.memory_space<vmem>>) semaphore(%arg18 : memref<!tpu.dma_semaphore, #tpu.memory_space<semaphore_mem>>)
      } else {
      }
    }
    %scan3A_99 = arith.constant 40 : i32
    %dma_wait3A_100 = arith.constant 78 : i32
    %dma_wait3A_101 = arith.constant 0 : i32
    %dma_wait3A_102 = tpu.memref_slice %arg8[%dma_wait3A_100, %dma_wait3A_101] : memref<80x128xi32, #tpu.memory_space<vmem>> -> memref<1x128xi32, #tpu.memory_space<vmem>>
    %dma_wait3A_103 = tpu.memref_squeeze %dma_wait3A_102 : memref<1x128xi32, #tpu.memory_space<vmem>> -> memref<128xi32, #tpu.memory_space<vmem>>
    %dma_wait3A_104 = arith.constant 0 : i32
    %dma_wait3A_105 = arith.constant 0 : i32
    %dma_wait3A_106 = tpu.memref_slice %arg16[%dma_wait3A_104, %dma_wait3A_105] : memref<10240x64xf32, #tpu.memory_space<vmem_shared>> -> memref<10240x64xf32, #tpu.memory_space<vmem_shared>>
    tpu.wait_indirect_dma semaphore(%arg19 : memref<!tpu.dma_semaphore, #tpu.memory_space<semaphore_mem>>) src(%arg11 : memref<128x64xf32, #tpu.memory_space<vmem>>) dst(%dma_wait3A_106 : memref<10240x64xf32, #tpu.memory_space<vmem_shared>>)
    %dma_wait3A_107 = arith.constant 79 : i32
    %dma_wait3A_108 = arith.constant 0 : i32
    %dma_wait3A_109 = tpu.memref_slice %arg8[%dma_wait3A_107, %dma_wait3A_108] : memref<80x128xi32, #tpu.memory_space<vmem>> -> memref<1x128xi32, #tpu.memory_space<vmem>>
    %dma_wait3A_110 = tpu.memref_squeeze %dma_wait3A_109 : memref<1x128xi32, #tpu.memory_space<vmem>> -> memref<128xi32, #tpu.memory_space<vmem>>
    %dma_wait3A_111 = arith.constant 0 : i32
    %dma_wait3A_112 = arith.constant 0 : i32
    %dma_wait3A_113 = tpu.memref_slice %arg16[%dma_wait3A_111, %dma_wait3A_112] : memref<10240x64xf32, #tpu.memory_space<vmem_shared>> -> memref<10240x64xf32, #tpu.memory_space<vmem_shared>>
    tpu.wait_indirect_dma semaphore(%arg20 : memref<!tpu.dma_semaphore, #tpu.memory_space<semaphore_mem>>) src(%arg12 : memref<128x64xf32, #tpu.memory_space<vmem>>) dst(%dma_wait3A_113 : memref<10240x64xf32, #tpu.memory_space<vmem_shared>>)
    %barrier3A_114 = arith.constant 0 : index
    tpu.barrier barrier_id(%barrier3A_114)
    %mul3A_115 = arith.constant 640 : i32
    %mul3A_116 = arith.muli %arg1, %mul3A_115 : i32
    %add3A_117 = arith.constant 0 : i32
    %add3A_118 = arith.addi %mul3A_116, %add3A_117 : i32
    "tpu.region"() ({
      %run_scoped3A = tpu.sem_alloc : memref<!tpu.dma_semaphore, #tpu.memory_space<semaphore_mem>>
      %dma_start3A_150 = arith.constant 0 : i32
      %dma_start3A_151 = tpu.memref_slice %arg16[%add3A_118, %dma_start3A_150] : memref<10240x64xf32, #tpu.memory_space<vmem_shared>> -> memref<128x64xf32, #tpu.memory_space<vmem_shared>>
      %dma_start3A_152 = arith.constant 0 : i32
      %dma_start3A_153 = tpu.memref_slice %arg16[%add3A_118, %dma_start3A_152] : memref<10240x64xf32, #tpu.memory_space<vmem_shared>> -> memref<128x64xf32, #tpu.memory_space<vmem_shared>>
      tpu.enqueue_dma source(%dma_start3A_153 : memref<128x64xf32, #tpu.memory_space<vmem_shared>>) target(%arg13 : memref<128x64xf32, #tpu.memory_space<vmem>>) target_semaphore(%run_scoped3A : memref<!tpu.dma_semaphore, #tpu.memory_space<semaphore_mem>>)
      %dma_wait3A_154 = arith.constant 0 : i32
      %dma_wait3A_155 = tpu.memref_slice %arg16[%add3A_118, %dma_wait3A_154] : memref<10240x64xf32, #tpu.memory_space<vmem_shared>> -> memref<128x64xf32, #tpu.memory_space<vmem_shared>>
      %dma_wait3A_156 = arith.constant 0 : i32
      %dma_wait3A_157 = tpu.memref_slice %arg16[%add3A_118, %dma_wait3A_156] : memref<10240x64xf32, #tpu.memory_space<vmem_shared>> -> memref<128x64xf32, #tpu.memory_space<vmem_shared>>
      tpu.wait_dma2 semaphore(%run_scoped3A : memref<!tpu.dma_semaphore, #tpu.memory_space<semaphore_mem>>) src(%dma_wait3A_157 : memref<128x64xf32, #tpu.memory_space<vmem_shared>>) dst(%arg13 : memref<128x64xf32, #tpu.memory_space<vmem>>)
      tpu.yield
    }) : () -> ()
    %mul3A_119 = arith.constant 10240 : i32
    %mul3A_120 = arith.muli %arg0, %mul3A_119 : i32
    %add3A_121 = arith.addi %mul3A_120, %add3A_118 : i32
    "tpu.region"() ({
      %run_scoped3A = tpu.sem_alloc : memref<!tpu.dma_semaphore, #tpu.memory_space<semaphore_mem>>
      %dma_start3A_150 = arith.constant 0 : i32
      %dma_start3A_151 = tpu.memref_slice %arg6[%add3A_121, %dma_start3A_150] : memref<20480x64xf32, #tpu.memory_space<hbm>> -> memref<128x64xf32, #tpu.memory_space<hbm>>
      %dma_start3A_152 = arith.constant 0 : i32
      %dma_start3A_153 = tpu.memref_slice %arg6[%add3A_121, %dma_start3A_152] : memref<20480x64xf32, #tpu.memory_space<hbm>> -> memref<128x64xf32, #tpu.memory_space<hbm>>
      tpu.enqueue_dma source(%arg13 : memref<128x64xf32, #tpu.memory_space<vmem>>) target(%dma_start3A_153 : memref<128x64xf32, #tpu.memory_space<hbm>>) target_semaphore(%run_scoped3A : memref<!tpu.dma_semaphore, #tpu.memory_space<semaphore_mem>>)
      %dma_wait3A_154 = arith.constant 0 : i32
      %dma_wait3A_155 = tpu.memref_slice %arg6[%add3A_121, %dma_wait3A_154] : memref<20480x64xf32, #tpu.memory_space<hbm>> -> memref<128x64xf32, #tpu.memory_space<hbm>>
      %dma_wait3A_156 = arith.constant 0 : i32
      %dma_wait3A_157 = tpu.memref_slice %arg6[%add3A_121, %dma_wait3A_156] : memref<20480x64xf32, #tpu.memory_space<hbm>> -> memref<128x64xf32, #tpu.memory_space<hbm>>
      tpu.wait_dma2 semaphore(%run_scoped3A : memref<!tpu.dma_semaphore, #tpu.memory_space<semaphore_mem>>) src(%arg13 : memref<128x64xf32, #tpu.memory_space<vmem>>) dst(%dma_wait3A_157 : memref<128x64xf32, #tpu.memory_space<hbm>>)
      tpu.yield
    }) : () -> ()
    %mul3A_122 = arith.constant 640 : i32
    %mul3A_123 = arith.muli %arg1, %mul3A_122 : i32
    %add3A_124 = arith.constant 128 : i32
    %add3A_125 = arith.addi %mul3A_123, %add3A_124 : i32
    "tpu.region"() ({
      %run_scoped3A = tpu.sem_alloc : memref<!tpu.dma_semaphore, #tpu.memory_space<semaphore_mem>>
      %dma_start3A_150 = arith.constant 0 : i32
      %dma_start3A_151 = tpu.memref_slice %arg16[%add3A_125, %dma_start3A_150] : memref<10240x64xf32, #tpu.memory_space<vmem_shared>> -> memref<128x64xf32, #tpu.memory_space<vmem_shared>>
      %dma_start3A_152 = arith.constant 0 : i32
      %dma_start3A_153 = tpu.memref_slice %arg16[%add3A_125, %dma_start3A_152] : memref<10240x64xf32, #tpu.memory_space<vmem_shared>> -> memref<128x64xf32, #tpu.memory_space<vmem_shared>>
      tpu.enqueue_dma source(%dma_start3A_153 : memref<128x64xf32, #tpu.memory_space<vmem_shared>>) target(%arg13 : memref<128x64xf32, #tpu.memory_space<vmem>>) target_semaphore(%run_scoped3A : memref<!tpu.dma_semaphore, #tpu.memory_space<semaphore_mem>>)
      %dma_wait3A_154 = arith.constant 0 : i32
      %dma_wait3A_155 = tpu.memref_slice %arg16[%add3A_125, %dma_wait3A_154] : memref<10240x64xf32, #tpu.memory_space<vmem_shared>> -> memref<128x64xf32, #tpu.memory_space<vmem_shared>>
      %dma_wait3A_156 = arith.constant 0 : i32
      %dma_wait3A_157 = tpu.memref_slice %arg16[%add3A_125, %dma_wait3A_156] : memref<10240x64xf32, #tpu.memory_space<vmem_shared>> -> memref<128x64xf32, #tpu.memory_space<vmem_shared>>
      tpu.wait_dma2 semaphore(%run_scoped3A : memref<!tpu.dma_semaphore, #tpu.memory_space<semaphore_mem>>) src(%dma_wait3A_157 : memref<128x64xf32, #tpu.memory_space<vmem_shared>>) dst(%arg13 : memref<128x64xf32, #tpu.memory_space<vmem>>)
      tpu.yield
    }) : () -> ()
    %mul3A_126 = arith.constant 10240 : i32
    %mul3A_127 = arith.muli %arg0, %mul3A_126 : i32
    %add3A_128 = arith.addi %mul3A_127, %add3A_125 : i32
    "tpu.region"() ({
      %run_scoped3A = tpu.sem_alloc : memref<!tpu.dma_semaphore, #tpu.memory_space<semaphore_mem>>
      %dma_start3A_150 = arith.constant 0 : i32
      %dma_start3A_151 = tpu.memref_slice %arg6[%add3A_128, %dma_start3A_150] : memref<20480x64xf32, #tpu.memory_space<hbm>> -> memref<128x64xf32, #tpu.memory_space<hbm>>
      %dma_start3A_152 = arith.constant 0 : i32
      %dma_start3A_153 = tpu.memref_slice %arg6[%add3A_128, %dma_start3A_152] : memref<20480x64xf32, #tpu.memory_space<hbm>> -> memref<128x64xf32, #tpu.memory_space<hbm>>
      tpu.enqueue_dma source(%arg13 : memref<128x64xf32, #tpu.memory_space<vmem>>) target(%dma_start3A_153 : memref<128x64xf32, #tpu.memory_space<hbm>>) target_semaphore(%run_scoped3A : memref<!tpu.dma_semaphore, #tpu.memory_space<semaphore_mem>>)
      %dma_wait3A_154 = arith.constant 0 : i32
      %dma_wait3A_155 = tpu.memref_slice %arg6[%add3A_128, %dma_wait3A_154] : memref<20480x64xf32, #tpu.memory_space<hbm>> -> memref<128x64xf32, #tpu.memory_space<hbm>>
      %dma_wait3A_156 = arith.constant 0 : i32
      %dma_wait3A_157 = tpu.memref_slice %arg6[%add3A_128, %dma_wait3A_156] : memref<20480x64xf32, #tpu.memory_space<hbm>> -> memref<128x64xf32, #tpu.memory_space<hbm>>
      tpu.wait_dma2 semaphore(%run_scoped3A : memref<!tpu.dma_semaphore, #tpu.memory_space<semaphore_mem>>) src(%arg13 : memref<128x64xf32, #tpu.memory_space<vmem>>) dst(%dma_wait3A_157 : memref<128x64xf32, #tpu.memory_space<hbm>>)
      tpu.yield
    }) : () -> ()
    %mul3A_129 = arith.constant 640 : i32
    %mul3A_130 = arith.muli %arg1, %mul3A_129 : i32
    %add3A_131 = arith.constant 256 : i32
    %add3A_132 = arith.addi %mul3A_130, %add3A_131 : i32
    "tpu.region"() ({
      %run_scoped3A = tpu.sem_alloc : memref<!tpu.dma_semaphore, #tpu.memory_space<semaphore_mem>>
      %dma_start3A_150 = arith.constant 0 : i32
      %dma_start3A_151 = tpu.memref_slice %arg16[%add3A_132, %dma_start3A_150] : memref<10240x64xf32, #tpu.memory_space<vmem_shared>> -> memref<128x64xf32, #tpu.memory_space<vmem_shared>>
      %dma_start3A_152 = arith.constant 0 : i32
      %dma_start3A_153 = tpu.memref_slice %arg16[%add3A_132, %dma_start3A_152] : memref<10240x64xf32, #tpu.memory_space<vmem_shared>> -> memref<128x64xf32, #tpu.memory_space<vmem_shared>>
      tpu.enqueue_dma source(%dma_start3A_153 : memref<128x64xf32, #tpu.memory_space<vmem_shared>>) target(%arg13 : memref<128x64xf32, #tpu.memory_space<vmem>>) target_semaphore(%run_scoped3A : memref<!tpu.dma_semaphore, #tpu.memory_space<semaphore_mem>>)
      %dma_wait3A_154 = arith.constant 0 : i32
      %dma_wait3A_155 = tpu.memref_slice %arg16[%add3A_132, %dma_wait3A_154] : memref<10240x64xf32, #tpu.memory_space<vmem_shared>> -> memref<128x64xf32, #tpu.memory_space<vmem_shared>>
      %dma_wait3A_156 = arith.constant 0 : i32
      %dma_wait3A_157 = tpu.memref_slice %arg16[%add3A_132, %dma_wait3A_156] : memref<10240x64xf32, #tpu.memory_space<vmem_shared>> -> memref<128x64xf32, #tpu.memory_space<vmem_shared>>
      tpu.wait_dma2 semaphore(%run_scoped3A : memref<!tpu.dma_semaphore, #tpu.memory_space<semaphore_mem>>) src(%dma_wait3A_157 : memref<128x64xf32, #tpu.memory_space<vmem_shared>>) dst(%arg13 : memref<128x64xf32, #tpu.memory_space<vmem>>)
      tpu.yield
    }) : () -> ()
    %mul3A_133 = arith.constant 10240 : i32
    %mul3A_134 = arith.muli %arg0, %mul3A_133 : i32
    %add3A_135 = arith.addi %mul3A_134, %add3A_132 : i32
    "tpu.region"() ({
      %run_scoped3A = tpu.sem_alloc : memref<!tpu.dma_semaphore, #tpu.memory_space<semaphore_mem>>
      %dma_start3A_150 = arith.constant 0 : i32
      %dma_start3A_151 = tpu.memref_slice %arg6[%add3A_135, %dma_start3A_150] : memref<20480x64xf32, #tpu.memory_space<hbm>> -> memref<128x64xf32, #tpu.memory_space<hbm>>
      %dma_start3A_152 = arith.constant 0 : i32
      %dma_start3A_153 = tpu.memref_slice %arg6[%add3A_135, %dma_start3A_152] : memref<20480x64xf32, #tpu.memory_space<hbm>> -> memref<128x64xf32, #tpu.memory_space<hbm>>
      tpu.enqueue_dma source(%arg13 : memref<128x64xf32, #tpu.memory_space<vmem>>) target(%dma_start3A_153 : memref<128x64xf32, #tpu.memory_space<hbm>>) target_semaphore(%run_scoped3A : memref<!tpu.dma_semaphore, #tpu.memory_space<semaphore_mem>>)
      %dma_wait3A_154 = arith.constant 0 : i32
      %dma_wait3A_155 = tpu.memref_slice %arg6[%add3A_135, %dma_wait3A_154] : memref<20480x64xf32, #tpu.memory_space<hbm>> -> memref<128x64xf32, #tpu.memory_space<hbm>>
      %dma_wait3A_156 = arith.constant 0 : i32
      %dma_wait3A_157 = tpu.memref_slice %arg6[%add3A_135, %dma_wait3A_156] : memref<20480x64xf32, #tpu.memory_space<hbm>> -> memref<128x64xf32, #tpu.memory_space<hbm>>
      tpu.wait_dma2 semaphore(%run_scoped3A : memref<!tpu.dma_semaphore, #tpu.memory_space<semaphore_mem>>) src(%arg13 : memref<128x64xf32, #tpu.memory_space<vmem>>) dst(%dma_wait3A_157 : memref<128x64xf32, #tpu.memory_space<hbm>>)
      tpu.yield
    }) : () -> ()
    %mul3A_136 = arith.constant 640 : i32
    %mul3A_137 = arith.muli %arg1, %mul3A_136 : i32
    %add3A_138 = arith.constant 384 : i32
    %add3A_139 = arith.addi %mul3A_137, %add3A_138 : i32
    "tpu.region"() ({
      %run_scoped3A = tpu.sem_alloc : memref<!tpu.dma_semaphore, #tpu.memory_space<semaphore_mem>>
      %dma_start3A_150 = arith.constant 0 : i32
      %dma_start3A_151 = tpu.memref_slice %arg16[%add3A_139, %dma_start3A_150] : memref<10240x64xf32, #tpu.memory_space<vmem_shared>> -> memref<128x64xf32, #tpu.memory_space<vmem_shared>>
      %dma_start3A_152 = arith.constant 0 : i32
      %dma_start3A_153 = tpu.memref_slice %arg16[%add3A_139, %dma_start3A_152] : memref<10240x64xf32, #tpu.memory_space<vmem_shared>> -> memref<128x64xf32, #tpu.memory_space<vmem_shared>>
      tpu.enqueue_dma source(%dma_start3A_153 : memref<128x64xf32, #tpu.memory_space<vmem_shared>>) target(%arg13 : memref<128x64xf32, #tpu.memory_space<vmem>>) target_semaphore(%run_scoped3A : memref<!tpu.dma_semaphore, #tpu.memory_space<semaphore_mem>>)
      %dma_wait3A_154 = arith.constant 0 : i32
      %dma_wait3A_155 = tpu.memref_slice %arg16[%add3A_139, %dma_wait3A_154] : memref<10240x64xf32, #tpu.memory_space<vmem_shared>> -> memref<128x64xf32, #tpu.memory_space<vmem_shared>>
      %dma_wait3A_156 = arith.constant 0 : i32
      %dma_wait3A_157 = tpu.memref_slice %arg16[%add3A_139, %dma_wait3A_156] : memref<10240x64xf32, #tpu.memory_space<vmem_shared>> -> memref<128x64xf32, #tpu.memory_space<vmem_shared>>
      tpu.wait_dma2 semaphore(%run_scoped3A : memref<!tpu.dma_semaphore, #tpu.memory_space<semaphore_mem>>) src(%dma_wait3A_157 : memref<128x64xf32, #tpu.memory_space<vmem_shared>>) dst(%arg13 : memref<128x64xf32, #tpu.memory_space<vmem>>)
      tpu.yield
    }) : () -> ()
    %mul3A_140 = arith.constant 10240 : i32
    %mul3A_141 = arith.muli %arg0, %mul3A_140 : i32
    %add3A_142 = arith.addi %mul3A_141, %add3A_139 : i32
    "tpu.region"() ({
      %run_scoped3A = tpu.sem_alloc : memref<!tpu.dma_semaphore, #tpu.memory_space<semaphore_mem>>
      %dma_start3A_150 = arith.constant 0 : i32
      %dma_start3A_151 = tpu.memref_slice %arg6[%add3A_142, %dma_start3A_150] : memref<20480x64xf32, #tpu.memory_space<hbm>> -> memref<128x64xf32, #tpu.memory_space<hbm>>
      %dma_start3A_152 = arith.constant 0 : i32
      %dma_start3A_153 = tpu.memref_slice %arg6[%add3A_142, %dma_start3A_152] : memref<20480x64xf32, #tpu.memory_space<hbm>> -> memref<128x64xf32, #tpu.memory_space<hbm>>
      tpu.enqueue_dma source(%arg13 : memref<128x64xf32, #tpu.memory_space<vmem>>) target(%dma_start3A_153 : memref<128x64xf32, #tpu.memory_space<hbm>>) target_semaphore(%run_scoped3A : memref<!tpu.dma_semaphore, #tpu.memory_space<semaphore_mem>>)
      %dma_wait3A_154 = arith.constant 0 : i32
      %dma_wait3A_155 = tpu.memref_slice %arg6[%add3A_142, %dma_wait3A_154] : memref<20480x64xf32, #tpu.memory_space<hbm>> -> memref<128x64xf32, #tpu.memory_space<hbm>>
      %dma_wait3A_156 = arith.constant 0 : i32
      %dma_wait3A_157 = tpu.memref_slice %arg6[%add3A_142, %dma_wait3A_156] : memref<20480x64xf32, #tpu.memory_space<hbm>> -> memref<128x64xf32, #tpu.memory_space<hbm>>
      tpu.wait_dma2 semaphore(%run_scoped3A : memref<!tpu.dma_semaphore, #tpu.memory_space<semaphore_mem>>) src(%arg13 : memref<128x64xf32, #tpu.memory_space<vmem>>) dst(%dma_wait3A_157 : memref<128x64xf32, #tpu.memory_space<hbm>>)
      tpu.yield
    }) : () -> ()
    %mul3A_143 = arith.constant 640 : i32
    %mul3A_144 = arith.muli %arg1, %mul3A_143 : i32
    %add3A_145 = arith.constant 512 : i32
    %add3A_146 = arith.addi %mul3A_144, %add3A_145 : i32
    "tpu.region"() ({
      %run_scoped3A = tpu.sem_alloc : memref<!tpu.dma_semaphore, #tpu.memory_space<semaphore_mem>>
      %dma_start3A_150 = arith.constant 0 : i32
      %dma_start3A_151 = tpu.memref_slice %arg16[%add3A_146, %dma_start3A_150] : memref<10240x64xf32, #tpu.memory_space<vmem_shared>> -> memref<128x64xf32, #tpu.memory_space<vmem_shared>>
      %dma_start3A_152 = arith.constant 0 : i32
      %dma_start3A_153 = tpu.memref_slice %arg16[%add3A_146, %dma_start3A_152] : memref<10240x64xf32, #tpu.memory_space<vmem_shared>> -> memref<128x64xf32, #tpu.memory_space<vmem_shared>>
      tpu.enqueue_dma source(%dma_start3A_153 : memref<128x64xf32, #tpu.memory_space<vmem_shared>>) target(%arg13 : memref<128x64xf32, #tpu.memory_space<vmem>>) target_semaphore(%run_scoped3A : memref<!tpu.dma_semaphore, #tpu.memory_space<semaphore_mem>>)
      %dma_wait3A_154 = arith.constant 0 : i32
      %dma_wait3A_155 = tpu.memref_slice %arg16[%add3A_146, %dma_wait3A_154] : memref<10240x64xf32, #tpu.memory_space<vmem_shared>> -> memref<128x64xf32, #tpu.memory_space<vmem_shared>>
      %dma_wait3A_156 = arith.constant 0 : i32
      %dma_wait3A_157 = tpu.memref_slice %arg16[%add3A_146, %dma_wait3A_156] : memref<10240x64xf32, #tpu.memory_space<vmem_shared>> -> memref<128x64xf32, #tpu.memory_space<vmem_shared>>
      tpu.wait_dma2 semaphore(%run_scoped3A : memref<!tpu.dma_semaphore, #tpu.memory_space<semaphore_mem>>) src(%dma_wait3A_157 : memref<128x64xf32, #tpu.memory_space<vmem_shared>>) dst(%arg13 : memref<128x64xf32, #tpu.memory_space<vmem>>)
      tpu.yield
    }) : () -> ()
    %mul3A_147 = arith.constant 10240 : i32
    %mul3A_148 = arith.muli %arg0, %mul3A_147 : i32
    %add3A_149 = arith.addi %mul3A_148, %add3A_146 : i32
    "tpu.region"() ({
      %run_scoped3A = tpu.sem_alloc : memref<!tpu.dma_semaphore, #tpu.memory_space<semaphore_mem>>
      %dma_start3A_150 = arith.constant 0 : i32
      %dma_start3A_151 = tpu.memref_slice %arg6[%add3A_149, %dma_start3A_150] : memref<20480x64xf32, #tpu.memory_space<hbm>> -> memref<128x64xf32, #tpu.memory_space<hbm>>
      %dma_start3A_152 = arith.constant 0 : i32
      %dma_start3A_153 = tpu.memref_slice %arg6[%add3A_149, %dma_start3A_152] : memref<20480x64xf32, #tpu.memory_space<hbm>> -> memref<128x64xf32, #tpu.memory_space<hbm>>
      tpu.enqueue_dma source(%arg13 : memref<128x64xf32, #tpu.memory_space<vmem>>) target(%dma_start3A_153 : memref<128x64xf32, #tpu.memory_space<hbm>>) target_semaphore(%run_scoped3A : memref<!tpu.dma_semaphore, #tpu.memory_space<semaphore_mem>>)
      %dma_wait3A_154 = arith.constant 0 : i32
      %dma_wait3A_155 = tpu.memref_slice %arg6[%add3A_149, %dma_wait3A_154] : memref<20480x64xf32, #tpu.memory_space<hbm>> -> memref<128x64xf32, #tpu.memory_space<hbm>>
      %dma_wait3A_156 = arith.constant 0 : i32
      %dma_wait3A_157 = tpu.memref_slice %arg6[%add3A_149, %dma_wait3A_156] : memref<20480x64xf32, #tpu.memory_space<hbm>> -> memref<128x64xf32, #tpu.memory_space<hbm>>
      tpu.wait_dma2 semaphore(%run_scoped3A : memref<!tpu.dma_semaphore, #tpu.memory_space<semaphore_mem>>) src(%arg13 : memref<128x64xf32, #tpu.memory_space<vmem>>) dst(%dma_wait3A_157 : memref<128x64xf32, #tpu.memory_space<hbm>>)
      tpu.yield
    }) : () -> ()
    return
  }
}

module attributes {stable_mosaic.version = 14 : i64} {
  func.func @_finish_body(%arg0: i32, %arg1: memref<512x64xf32, #tpu.memory_space<vmem>>, %arg2: memref<512x64xf32, #tpu.memory_space<vmem>>, %arg3: memref<512x64xf32, #tpu.memory_space<vmem>>, %arg4: memref<512x64xf32, #tpu.memory_space<vmem>>, %arg5: memref<512x1xf32, #tpu.memory_space<vmem>>, %arg6: memref<64x384xf32, #tpu.memory_space<vmem>>, %arg7: memref<64x384xf32, #tpu.memory_space<vmem>>, %arg8: memref<1x384xf32, #tpu.memory_space<vmem>>, %arg9: memref<384x3xf32, #tpu.memory_space<vmem>>, %arg10: memref<1x3xf32, #tpu.memory_space<vmem>>, %arg11: memref<512x128xf32, #tpu.memory_space<vmem>>) attributes {dimension_semantics = [#tpu.dimension_semantics<arbitrary>], iteration_bounds = array<i64: 20>, scalar_prefetch = 0 : i64, scratch_operands = 0 : i64, tpu.core_type = #tpu.core_type<tc>, window_params = [{transform_indices = @transform_0, window_bounds = array<i64: 512, 64>}, {transform_indices = @transform_1, window_bounds = array<i64: 512, 64>}, {transform_indices = @transform_2, window_bounds = array<i64: 512, 64>}, {transform_indices = @transform_3, window_bounds = array<i64: 512, 64>}, {transform_indices = @transform_4, window_bounds = array<i64: 512, 1>}, {pipeline_mode = #tpu.pipeline_mode<synchronous>, transform_indices = @transform_5, window_bounds = array<i64: 64, 384>}, {pipeline_mode = #tpu.pipeline_mode<synchronous>, transform_indices = @transform_6, window_bounds = array<i64: 64, 384>}, {pipeline_mode = #tpu.pipeline_mode<synchronous>, transform_indices = @transform_7, window_bounds = array<i64: 1, 384>}, {pipeline_mode = #tpu.pipeline_mode<synchronous>, transform_indices = @transform_8, window_bounds = array<i64: 384, 3>}, {pipeline_mode = #tpu.pipeline_mode<synchronous>, transform_indices = @transform_9, window_bounds = array<i64: 1, 3>}, {transform_indices = @transform_10, window_bounds = array<i64: 512, 128>}]} {
    %get3A = arith.constant 0 : index
    %get3A_0 = arith.constant 0 : index
    %get3A_1 = vector.load %arg1[%get3A, %get3A_0] : memref<512x64xf32, #tpu.memory_space<vmem>>, vector<512x64xf32>
    %get3A_2 = arith.constant 0 : index
    %get3A_3 = arith.constant 0 : index
    %get3A_4 = vector.load %arg3[%get3A_2, %get3A_3] : memref<512x64xf32, #tpu.memory_space<vmem>>, vector<512x64xf32>
    %add3A = arith.addf %get3A_1, %get3A_4 : vector<512x64xf32>
    %get3A_5 = arith.constant 0 : index
    %get3A_6 = arith.constant 0 : index
    %get3A_7 = vector.load %arg5[%get3A_5, %get3A_6] : memref<512x1xf32, #tpu.memory_space<vmem>>, vector<512x1xf32>
    %mul3A = vector.broadcast %get3A_7 : vector<512x1xf32> to vector<512x64xf32>
    %mul3A_8 = arith.mulf %add3A, %mul3A : vector<512x64xf32>
    %get3A_9 = arith.constant 0 : index
    %get3A_10 = arith.constant 0 : index
    %get3A_11 = vector.load %arg2[%get3A_9, %get3A_10] : memref<512x64xf32, #tpu.memory_space<vmem>>, vector<512x64xf32>
    %get3A_12 = arith.constant 0 : index
    %get3A_13 = arith.constant 0 : index
    %get3A_14 = vector.load %arg4[%get3A_12, %get3A_13] : memref<512x64xf32, #tpu.memory_space<vmem>>, vector<512x64xf32>
    %add3A_15 = arith.addf %get3A_11, %get3A_14 : vector<512x64xf32>
    %get3A_16 = arith.constant 0 : index
    %get3A_17 = arith.constant 0 : index
    %get3A_18 = vector.load %arg5[%get3A_16, %get3A_17] : memref<512x1xf32, #tpu.memory_space<vmem>>, vector<512x1xf32>
    %mul3A_19 = vector.broadcast %get3A_18 : vector<512x1xf32> to vector<512x64xf32>
    %mul3A_20 = arith.mulf %add3A_15, %mul3A_19 : vector<512x64xf32>
    %get3A_21 = arith.constant 0 : index
    %get3A_22 = arith.constant 0 : index
    %get3A_23 = vector.load %arg6[%get3A_21, %get3A_22] : memref<64x384xf32, #tpu.memory_space<vmem>>, vector<64x384xf32>
    %dot_general3A = arith.constant dense<0.000000e+00> : vector<512x384xf32>
    %dot_general3A_24 = tpu.matmul %mul3A_8, %get3A_23, %dot_general3A {dimension_numbers = #tpu.dot_dimension_numbers<[1], [0], [0], [1], [0, 0, 1, 1], [], []>, transpose_lhs_hint = false} : vector<512x64xf32>, vector<64x384xf32>, vector<512x384xf32> -> vector<512x384xf32>
    %get3A_25 = arith.constant 0 : index
    %get3A_26 = arith.constant 0 : index
    %get3A_27 = vector.load %arg7[%get3A_25, %get3A_26] : memref<64x384xf32, #tpu.memory_space<vmem>>, vector<64x384xf32>
    %dot_general3A_28 = arith.constant dense<0.000000e+00> : vector<512x384xf32>
    %dot_general3A_29 = tpu.matmul %mul3A_20, %get3A_27, %dot_general3A_28 {dimension_numbers = #tpu.dot_dimension_numbers<[1], [0], [0], [1], [0, 0, 1, 1], [], []>, transpose_lhs_hint = false} : vector<512x64xf32>, vector<64x384xf32>, vector<512x384xf32> -> vector<512x384xf32>
    %add3A_30 = arith.addf %dot_general3A_24, %dot_general3A_29 : vector<512x384xf32>
    %get3A_31 = arith.constant 0 : index
    %get3A_32 = arith.constant 0 : index
    %get3A_33 = vector.load %arg8[%get3A_31, %get3A_32] : memref<1x384xf32, #tpu.memory_space<vmem>>, vector<1x384xf32>
    %add3A_34 = vector.broadcast %get3A_33 : vector<1x384xf32> to vector<512x384xf32>
    %add3A_35 = arith.addf %add3A_30, %add3A_34 : vector<512x384xf32>
    %gt3A = arith.constant 0.000000e+00 : f32
    %gt3A_36 = vector.broadcast %gt3A : f32 to vector<512x384xf32>
    %gt3A_37 = arith.cmpf ogt, %add3A_35, %gt3A_36 : vector<512x384xf32>
    %mul3A_38 = arith.constant 0.00999999977 : f32
    %mul3A_39 = vector.broadcast %mul3A_38 : f32 to vector<512x384xf32>
    %mul3A_40 = arith.mulf %mul3A_39, %add3A_35 : vector<512x384xf32>
    %select_n3A = arith.select %gt3A_37, %add3A_35, %mul3A_40 : vector<512x384xi1>, vector<512x384xf32>
    %get3A_41 = arith.constant 0 : index
    %get3A_42 = arith.constant 0 : index
    %get3A_43 = vector.load %arg9[%get3A_41, %get3A_42] : memref<384x3xf32, #tpu.memory_space<vmem>>, vector<384x3xf32>
    %dot_general3A_44 = arith.constant dense<0.000000e+00> : vector<512x3xf32>
    %dot_general3A_45 = tpu.matmul %select_n3A, %get3A_43, %dot_general3A_44 {dimension_numbers = #tpu.dot_dimension_numbers<[1], [0], [0], [1], [0, 0, 1, 1], [], []>, transpose_lhs_hint = false} : vector<512x384xf32>, vector<384x3xf32>, vector<512x3xf32> -> vector<512x3xf32>
    %get3A_46 = arith.constant 0 : index
    %get3A_47 = arith.constant 0 : index
    %get3A_48 = vector.load %arg10[%get3A_46, %get3A_47] : memref<1x3xf32, #tpu.memory_space<vmem>>, vector<1x3xf32>
    %add3A_49 = vector.broadcast %get3A_48 : vector<1x3xf32> to vector<512x3xf32>
    %add3A_50 = arith.addf %dot_general3A_45, %add3A_49 : vector<512x3xf32>
    %reduce_max3A = arith.constant dense<0xFF800000> : vector<512xf32>
    %reduce_max3A_51 = vector.multi_reduction <maximumf>, %add3A_50, %reduce_max3A [1] : vector<512x3xf32> to vector<512xf32>
    %broadcast_in_dim3A = vector.shape_cast %reduce_max3A_51 : vector<512xf32> to vector<512x1xf32>
    %sub3A = vector.broadcast %broadcast_in_dim3A : vector<512x1xf32> to vector<512x3xf32>
    %sub3A_52 = arith.subf %add3A_50, %sub3A : vector<512x3xf32>
    %exp3A = math.exp %sub3A_52 : vector<512x3xf32>
    %reduce_sum3A = arith.constant dense<0.000000e+00> : vector<512xf32>
    %reduce_sum3A_53 = vector.multi_reduction <add>, %exp3A, %reduce_sum3A [1] : vector<512x3xf32> to vector<512xf32>
    %broadcast_in_dim3A_54 = vector.shape_cast %reduce_sum3A_53 : vector<512xf32> to vector<512x1xf32>
    %div3A = vector.broadcast %broadcast_in_dim3A_54 : vector<512x1xf32> to vector<512x3xf32>
    %div3A_55 = arith.divf %exp3A, %div3A : vector<512x3xf32>
    %slice3A = vector.extract_strided_slice %select_n3A {offsets = [0, 0], sizes = [512, 128], strides = [1, 1]} : vector<512x384xf32> to vector<512x128xf32>
    %slice3A_56 = vector.extract_strided_slice %div3A_55 {offsets = [0, 0], sizes = [512, 1], strides = [1, 1]} : vector<512x3xf32> to vector<512x1xf32>
    %mul3A_57 = vector.broadcast %slice3A_56 : vector<512x1xf32> to vector<512x128xf32>
    %mul3A_58 = arith.mulf %slice3A, %mul3A_57 : vector<512x128xf32>
    %slice3A_59 = vector.extract_strided_slice %select_n3A {offsets = [0, 128], sizes = [512, 128], strides = [1, 1]} : vector<512x384xf32> to vector<512x128xf32>
    %slice3A_60 = vector.extract_strided_slice %div3A_55 {offsets = [0, 1], sizes = [512, 1], strides = [1, 1]} : vector<512x3xf32> to vector<512x1xf32>
    %mul3A_61 = vector.broadcast %slice3A_60 : vector<512x1xf32> to vector<512x128xf32>
    %mul3A_62 = arith.mulf %slice3A_59, %mul3A_61 : vector<512x128xf32>
    %add3A_63 = arith.addf %mul3A_58, %mul3A_62 : vector<512x128xf32>
    %slice3A_64 = vector.extract_strided_slice %select_n3A {offsets = [0, 256], sizes = [512, 128], strides = [1, 1]} : vector<512x384xf32> to vector<512x128xf32>
    %slice3A_65 = vector.extract_strided_slice %div3A_55 {offsets = [0, 2], sizes = [512, 1], strides = [1, 1]} : vector<512x3xf32> to vector<512x1xf32>
    %mul3A_66 = vector.broadcast %slice3A_65 : vector<512x1xf32> to vector<512x128xf32>
    %mul3A_67 = arith.mulf %slice3A_64, %mul3A_66 : vector<512x128xf32>
    %add3A_68 = arith.addf %add3A_63, %mul3A_67 : vector<512x128xf32>
    %swap3A = arith.constant 0 : index
    %swap3A_69 = arith.constant 0 : index
    %swap3A_70 = vector.load %arg11[%swap3A, %swap3A_69] : memref<512x128xf32, #tpu.memory_space<vmem>>, vector<512x128xf32>
    tpu.vector_store %arg11[%swap3A, %swap3A_69], %add3A_68 {strides = array<i32>} : memref<512x128xf32, #tpu.memory_space<vmem>>, vector<512x128xf32>,
    return
  }
  func.func @transform_0(%arg0: i32) -> (i32, i32) {
    %c0_i32 = arith.constant 0 : i32
    %c0_i32_0 = arith.constant 0 : i32
    return %arg0, %c0_i32 : i32, i32
  }
  func.func @transform_1(%arg0: i32) -> (i32, i32) {
    %add3A = arith.constant 20 : i32
    %add3A_0 = arith.addi %arg0, %add3A : i32
    %c0_i32 = arith.constant 0 : i32
    %c0_i32_1 = arith.constant 0 : i32
    return %add3A_0, %c0_i32 : i32, i32
  }
  func.func @transform_2(%arg0: i32) -> (i32, i32) {
    %c0_i32 = arith.constant 0 : i32
    %c0_i32_0 = arith.constant 0 : i32
    return %arg0, %c0_i32 : i32, i32
  }
  func.func @transform_3(%arg0: i32) -> (i32, i32) {
    %add3A = arith.constant 20 : i32
    %add3A_0 = arith.addi %arg0, %add3A : i32
    %c0_i32 = arith.constant 0 : i32
    %c0_i32_1 = arith.constant 0 : i32
    return %add3A_0, %c0_i32 : i32, i32
  }
  func.func @transform_4(%arg0: i32) -> (i32, i32) {
    %c0_i32 = arith.constant 0 : i32
    %c0_i32_0 = arith.constant 0 : i32
    return %arg0, %c0_i32 : i32, i32
  }
  func.func @transform_5(%arg0: i32) -> (i32, i32) {
    %c0_i32 = arith.constant 0 : i32
    %c0_i32_0 = arith.constant 0 : i32
    %c0_i32_1 = arith.constant 0 : i32
    return %c0_i32, %c0_i32_0 : i32, i32
  }
  func.func @transform_6(%arg0: i32) -> (i32, i32) {
    %c0_i32 = arith.constant 0 : i32
    %c0_i32_0 = arith.constant 0 : i32
    %c0_i32_1 = arith.constant 0 : i32
    return %c0_i32, %c0_i32_0 : i32, i32
  }
  func.func @transform_7(%arg0: i32) -> (i32, i32) {
    %c0_i32 = arith.constant 0 : i32
    %c0_i32_0 = arith.constant 0 : i32
    %c0_i32_1 = arith.constant 0 : i32
    return %c0_i32, %c0_i32_0 : i32, i32
  }
  func.func @transform_8(%arg0: i32) -> (i32, i32) {
    %c0_i32 = arith.constant 0 : i32
    %c0_i32_0 = arith.constant 0 : i32
    %c0_i32_1 = arith.constant 0 : i32
    return %c0_i32, %c0_i32_0 : i32, i32
  }
  func.func @transform_9(%arg0: i32) -> (i32, i32) {
    %c0_i32 = arith.constant 0 : i32
    %c0_i32_0 = arith.constant 0 : i32
    %c0_i32_1 = arith.constant 0 : i32
    return %c0_i32, %c0_i32_0 : i32, i32
  }
  func.func @transform_10(%arg0: i32) -> (i32, i32) {
    %c0_i32 = arith.constant 0 : i32
    %c0_i32_0 = arith.constant 0 : i32
    return %arg0, %c0_i32 : i32, i32
  }
}

</mosaic_0001>

<sc_bundles>
// kernel: kernel.5.cloned.1.call-start
scs
__scs_entry_jumppad:
0x0: {  	(pc) =	sbr.rel $0x88, $3  }
0x1: {  	(tag) =	ssettag $0x0;
	lr =	simm.s32 $0x1  }
0x2: {  	[smem:$0x3F97] =	sst lr;
	_ =	strace $0xD0000000  }
0x3: {  	_ = 	snop  }
0x4: {  	_ = 	snop  }
0x5: {  	_ = 	snop  }
0x6: {  	_ = 	snop  }
0x7: {  	_ = 	snop  }
__scs_overlays_trampoline_lowered:
0x8: {  	[smem:$0x3FA6] =	sst s0  }
0x9: {  	[smem:$0x3FA7] =	sst s1  }
0xa: {  	[smem:$0x3FA8] =	sst s2  }
0xb: {  	[smem:$0x3FA9] =	sst s3  }
0xc: {  	[smem:$0x3FAA] =	sst s4  }
0xd: {  	[smem:$0x3FAB] =	sst s5  }
0xe: {  	[smem:$0x3FAC] =	sst s6  }
0xf: {  	[smem:$0x3FAD] =	sst s7  }
0x10: {  	[smem:$0x3FAE] =	sst s8  }
0x11: {  	[smem:$0x3FAF] =	sst s9;
	s0 =	simm.s32 @!p0 $0x0  }
0x12: {  	s1 =	sld [smem:$0x3F95];
	s0 =	simm.s32 @p0 $0x1  }
0x13: {  	[smem:$0x3FB0] =	sst s0;
	s0 =	simm.s32 @!p1 $0x0  }
0x14: {  	s2 =	sld [smem:$0x3F94];
	s0 =	simm.s32 @p1 $0x1  }
0x15: {  	[smem:$0x3FB1] =	sst s0;
	s0 =	simm.s32 @!p2 $0x0  }
0x16: {  	s3 =	sld [smem:$0x3FDB];
	s0 =	simm.s32 @p2 $0x1  }
0x17: {  	s4 =	simm.s32 $0x1BF5;
	[smem:$0x3FB3] =	sst s0  }
0x18: {  	s0 =	sld [smem:$0x3F96];
	_ =	swait.ge [sflag:s4], $0x0  }
0x19: {  	s7 =	sld [smem:$0x3F97]  }
0x1a: {  	s8 =	sadd.s32 $0xFFFFE003, lr  }
0x1b: {  	s9 =	sadd.s32 $0xFFFFFEF7, lr;
	s5 =	simm.s32 $0xFFFFFFFF;
	p2 =	slt.u32 s8, $0xFFFFF086  }
0x1c: {  	p1 =	slt.u32 s9, $0xF7A;
	s5 =	simm.s32 @!p2 $0x0  }
0x1d: {  	s5 =	simm.s32 @p1 $0x1;
	p0 =	seq.s32 s7, s2  }
0x1e: {  	s7 =	smul.u32 @!p0 $0xF7A, s2;
	p2 =	seq.s32 @!p0 s5, $0x0  }
0x1f: {  	s9 =	smul.u32 $0xF7A, s1;
	s8 =	simm.s32 @!p0 $0x1BF5;
	p2 =	por !p2, p0  }
0x20: {  	[sflag:s8] =	ssyncset.s32 @!p0 $0xFFFFF086;
	s6 =	sadd.s32 @!p0 s3, s7;
	s7 =	simm.s32 @!p0 $0x108  }
0x21: {  	s3 =	sadd.s32 s3, s9;
	s6 =	sadd.s32 @!p0 $0x88, s6;
	s7 =	simm.s32 @p2 $0x1082  }
0x22: {  	[simem:s7], [sflag:s8] =	dma.local @!p0 [hbm:s6], $0xF7A  }
0x23: {  	s9 =	sor.u32 $0xD0000000, s2;
	s6 =	simm.s32 $0x108;
	_ =	swait.ge @!p0 [sflag:s8], $0x0  }
0x24: {  	s3 =	sadd.s32 $0x88, s3;
	s6 =	simm.s32 @!p1 $0x1082;
	[sflag:s4] =	ssyncset.s32 $0xFFFFF086  }
0x25: {  	[simem:s6], [sflag:s4] =	dma.local [hbm:s3], $0xF7A  }
0x26: {  	[smem:$0x3F97] =	sst s1;
	(tag) =	ssettag s2;
	_ =	strace s9  }
0x27: {  	s1 =	sld [smem:$0x3FA7]  }
0x28: {  	s2 =	sld [smem:$0x3FA8]  }
0x29: {  	s4 =	sld [smem:$0x3FAA]  }
0x2a: {  	p0 =	seq.s32 s5, $0x0;
	s5 =	sld [smem:$0x3FAB]  }
0x2b: {  	s6 =	sld [smem:$0x3FAC]  }
0x2c: {  	s7 =	sld [smem:$0x3FAD]  }
0x2d: {  	s3 =	simm.s32 $0x108;
	s8 =	sld [smem:$0x3FAE]  }
0x2e: {  	s3 =	simm.s32 @!p0 $0x1082;
	s9 =	sld [smem:$0x3FAF]  }
0x2f: {  	lr =	sadd.s32 s0, s3;
	s0 =	sld [smem:$0x3FA6]  }
0x30: {  	s3 =	sld [smem:$0x3FA9]  }
0x31: {  	[smem:$0x3FB2] =	sst s10  }
0x32: {  	s10 =	sld [smem:$0x3FB0];
	_ =	sdelay $0x3  }
0x33: {  	p0 =	seq.s32 s10, $0x1;
	s10 =	sld [smem:$0x3FB2];
	_ =	sdelay $0x3  }
0x34: {  	[smem:$0x3FB2] =	sst s10  }
0x35: {  	s10 =	sld [smem:$0x3FB1];
	_ =	sdelay $0x3  }
0x36: {  	p1 =	seq.s32 s10, $0x1;
	s10 =	sld [smem:$0x3FB2];
	_ =	sdelay $0x3  }
0x37: {  	[smem:$0x3FB2] =	sst s10  }
0x38: {  	s10 =	sld [smem:$0x3FB3]  }
0x39: {  	_ = 	snop;
	(pc) =	sbr.ind lr, $3  }
0x3a: {  	_ = 	snop  }
0x3b: {  	_ = 	snop  }
0x3c: {  	p2 =	seq.s32 s10, $0x1;
	s10 =	sld [smem:$0x3FB2]  }
0x3d: {  	_ =	shalt  }
0x3e: {  	_ =	shalt  }
0x3f: {  	_ =	shalt  }
0x40: {  	_ =	shalt  }
0x41: {  	_ =	shalt  }
0x42: {  	_ =	shalt  }
0x43: {  	_ =	shalt  }
0x44: {  	_ =	shalt  }
0x45: {  	_ =	shalt  }
0x46: {  	_ =	shalt  }
0x47: {  	_ =	shalt  }
0x48: {  	_ =	shalt  }
0x49: {  	_ =	shalt  }
0x4a: {  	_ =	shalt  }
0x4b: {  	_ =	shalt  }
0x4c: {  	_ =	shalt  }
0x4d: {  	_ =	shalt  }
0x4e: {  	_ =	shalt  }
0x4f: {  	_ =	shalt  }
0x50: {  	_ =	shalt  }
0x51: {  	_ =	shalt  }
0x52: {  	_ =	shalt  }
0x53: {  	_ =	shalt  }
0x54: {  	_ =	shalt  }
0x55: {  	_ =	shalt  }
0x56: {  	_ =	shalt  }
0x57: {  	_ =	shalt  }
0x58: {  	_ =	shalt  }
0x59: {  	_ =	shalt  }
0x5a: {  	_ =	shalt  }
0x5b: {  	_ =	shalt  }
0x5c: {  	_ =	shalt  }
0x5d: {  	_ =	shalt  }
0x5e: {  	_ =	shalt  }
0x5f: {  	_ =	shalt  }
0x60: {  	_ =	shalt  }
0x61: {  	_ =	shalt  }
0x62: {  	_ =	shalt  }
0x63: {  	_ =	shalt  }
0x64: {  	_ =	shalt  }
0x65: {  	_ =	shalt  }
0x66: {  	_ =	shalt  }
0x67: {  	_ =	shalt  }
0x68: {  	_ =	shalt  }
0x69: {  	_ =	shalt  }
0x6a: {  	_ =	shalt  }
0x6b: {  	_ =	shalt  }
0x6c: {  	_ =	shalt  }
0x6d: {  	_ =	shalt  }
0x6e: {  	_ =	shalt  }
0x6f: {  	_ =	shalt  }
0x70: {  	_ =	shalt  }
0x71: {  	_ =	shalt  }
0x72: {  	_ =	shalt  }
0x73: {  	_ =	shalt  }
0x74: {  	_ =	shalt  }
0x75: {  	_ =	shalt  }
0x76: {  	_ =	shalt  }
0x77: {  	_ =	shalt  }
0x78: {  	_ =	shalt  }
0x79: {  	_ =	shalt  }
0x7a: {  	_ =	shalt  }
0x7b: {  	_ =	shalt  }
0x7c: {  	_ =	shalt  }
0x7d: {  	_ =	shalt  }
0x7e: {  	_ =	shalt  }
0x7f: {  	_ =	shalt  }
0x80: {  	_ =	shalt  }
0x81: {  	_ =	shalt  }
0x82: {  	_ =	shalt  }
0x83: {  	_ =	shalt  }
0x84: {  	_ =	shalt  }
0x85: {  	_ =	shalt  }
0x86: {  	_ =	shalt  }
0x87: {  	_ =	shalt  }
.Lfunc_end0:
.L_simem_size_0:
called_computation_lowered:
.L_overlay_start_0:
0x88: {  	s2 =	sld [smem:$0x3FD9]  }
0x89: {  	s3 =	sld [smem:$0x3FFE];
	_ =	sdelay $0x1  }
0x8a: {  	s1 =	srdreg.scid  }
0x8b: {  	s0 =	sand.u32 $0x1, s1  }
0x8c: {  	s17 =	sshll.u32 s0, $0xA;
	s2 =	sadd.s32 s3, s2  }
0x8d: {  	s2 =	sadd.s32 s2, s17  }
0x8e: {  	[smem:$0x3FBE] =	sst s2  }
0x8f: {  	_ = 	snop  }
0x90: {  	s2 =	sld [smem:$0x3FD0];
	(tm) =	ssettm $0x1  }
0x91: {  	s18 =	sld [smem:$0x3FFB];
	_ =	sdelay $0x3  }
0x92: {  	_ =	strace s18  }
0x93: {  	s3 =	sld [smem:$0x3FFC];
	_ =	sdelay $0x3  }
0x94: {  	_ =	strace s3  }
0x95: {  	s3 =	sld [smem:$0x3FFD];
	_ =	sdelay $0x3  }
0x96: {  	_ =	strace s3  }
0x97: {  	_ =	strace $0x8FFFFFFF  }
0x98: {  	s19 =	sld [smem:$0x3FDB];
	_ =	sdelay $0x1  }
0x99: {  	s4 =	simm.s32 $_scs_section_size  }
0x9a: {  	s5 =	simm.s32 $_size__tile_overlayer_lowered;
	s6 =	simm.s32 $_tile_overlayer_lowered  }
0x9b: {  	s22 =	simm.s32 $0x1BFF;
	s21 =	sshll.u32 s6, $0x1;
	s3 =	sadd.s32 s4, s19  }
0x9c: {  	s7 =	simm.s32 $0x0;
	s20 =	sshll.u32 s5, $0x1;
	s5 =	sadd.s32 s21, s3  }
0x9d: {  	[timem:s7], [sflag:s22] =	dma.local [hbm:s5], s20  }
0x9e: {  	_ =	swait.ge [sflag:s22], s20  }
0x9f: {  	s4 =	ssub.s32 $0x0, s20;
	[sflag:s22] =	ssyncset.done $0x0  }
0xa0: {  	[sflag:s22] =	ssyncadd.s32 s4;
	_ =	sdelay $0x1  }
0xa1: {  	s23 =	simm.s32 $0x1B8B  }
0xa2: {  	_ =	swait.ge [sflag:s23], $0x1  }
0xa3: {  	[sflag:s23] =	ssyncset.done $0x0  }
0xa4: {  	s25 =	simm.s32 $0x1B8E;
	s24 =	sld [smem:$0x3FFE];
	[sflag:s23] =	ssyncadd.s32 $0xFFFFFFFF  }
0xa5: {  	s26 =	simm.s32 $execute0_lowered;
	[smem:$0x3FD2] =	sst s25  }
0xa6: {  	s5 =	sshll.u32 s26, $0x1;
	_ =	strace $0x80000046;
	[dreg:$0x1] =	wrdreg $0xFFFFFFFF  }
0xa7: {  	s28 =	simm.s32 $_size_execute0_lowered;
	s3 =	sadd.s32 s3, s5;
	[dreg:$0x0] =	wrdreg $0x0  }
0xa8: {  	s5 =	sshll.u32 s28, $0x1;
	[dreg:$0x2] =	wrdreg s3  }
0xa9: {  	[dreg:$0x3] =	wrdreg s5  }
0xaa: {  	[dreg:$0x4] =	wrdreg $0xC0  }
0xab: {  	_ =	task [dreg:s7], $0x5FFFF  }
0xac: {  	[dreg:$0x1] =	wrdreg $0xFFFFFFFF  }
0xad: {  	[dreg:$0x0] =	wrdreg $0x60  }
0xae: {  	[dreg:$0x2] =	wrdreg s24  }
0xaf: {  	[dreg:$0x3] =	wrdreg s2  }
0xb0: {  	[dreg:$0x4] =	wrdreg $0x38000  }
0xb1: {  	[dreg:$0x5] =	wrdreg $0x9  }
0xb2: {  	_ =	task.clear_ibuf [dreg:s7], $0x6FFFF;
	_ =	strace $0x90000046  }
0xb3: {  	s29 =	simm.s32 $0x9;
	_ =	strace $0x80000048  }
0xb4: {  	_ =	swait.ge [sflag:s29], $0x1  }
0xb5: {  	[sflag:s29] =	ssyncadd.s32 $0xFFFFFFFF  }
0xb6: {  	_ =	strace $0x90000048  }
0xb7: {  	_ =	sfence  }
0xb8: {  	s30 =	sld [smem:$0x0];
	_ =	sdelay $0x2  }
0xb9: {  	s31 =	sshll.u32 s1, $0xD;
	s1 =	sshrl.u32 s1, $0x2  }
0xba: {  	s3 =	sand.u32 $0x4000, s31;
	s1 =	sadd.s32 s1, s30  }
0xbb: {  	s0 =	sor.u32 s3, s0;
	s1 =	sshll.u32 s1, $0x11  }
0xbc: {  	s0 =	sor.u32 s1, s0  }
0xbd: {  	s0 =	sadd.s32 $0x8F2B, s0  }
0xbe: {  	[sflag:s0] =	ssyncadd.remote.s32 $0x1  }
0xbf: {  	_ =	sfence.sel $0xFFFF  }
0xc0: {  	[dreg:$0x0] =	wrdreg $0xFFFFFFFF;
	(pc) =	sbr.abs _section_cstart, $3  }
0xc1: {  	[dreg:$0x1] =	wrdreg $0xFFFFFFFF  }
0xc2: {  	_ =	task.clear_ibuf [dreg:s7], $0x2FFFF;
	_ =	strace $0x9FFFFFFF  }
0xc3: {  	(tm) =	ssettm $0x7FFFFFFF  }
tec
execute0_lowered:
.L_overlay_start_1:
0x0: {  	(tag) =	ssettag $0x1  }
0x1: {  	s5 =	rddreg [dreg:$0x0]  }
0x2: {  	s16 =	rddreg [dreg:$0x1]  }
0x3: {  	s0 =	srdreg.scid;
	s2 =	rddreg [dreg:$0x2]  }
0x4: {  	s3 =	simm.s32 $0x0;
	s8 =	sand.u32 $0x1, s0;
	s0 =	stileid.u32  }
0x5: {  	s21 =	simm.s32 $0x80;
	s22 =	simm.s32 $0x0;
	s10 =	smul.u32 $0x280, s0  }
0x6: {  	[smem:$0x7FF] =	sst s3;
	s1 =	sshll.u32 s8, $0x4;
	s6 =	smul.u32 $0xA000, s0  }
0x7: {  	s7 =	ssub.s32 $0x2, s8;
	s18 =	smul.u32 $0x2800, s8;
	s4 =	sor.u32 s0, s1  }
0x8: {  	s1 =	rddreg [dreg:$0x3];
	_ =	strace $0x80000047;
	s9 =	sshrl.u32 s7, $0x1  }
0x9: {  	s4 =	smul.u32 $0x500, s4;
	s6 =	sshrl.u32 s6, $0x2;
	s12 =	sadd.s32 $0x80, s10  }
0xa: {  	s17 =	ssub.s32 s7, s9;
	s14 =	sadd.s32 $0x100, s10;
	s15 =	sadd.s32 $0x180, s10  }
0xb: {  	s19 =	sadd.s32 $0x200, s10;
	s20 =	sadd.s32 s10, s18;
	s6 =	sadd.s32 s6, s2  }
0xc: {  	s26 =	sshll.u32 s12, $0x4;
	s28 =	sshll.u32 s14, $0x4;
	s13 =	sshll.u32 s15, $0x4  }
0xd: {  	s29 =	sshll.u32 s19, $0x4;
	s12 =	sadd.s32 s18, s12;
	s30 =	sshll.u32 s20, $0x1  }
0xe: {  	s14 =	sadd.s32 s18, s14;
	s15 =	sadd.s32 s18, s15;
	s18 =	sadd.s32 s18, s19  }
0xf: {  	s17 =	smax.u32 s17, $0x1;
	s19 =	simm.s32 $0x1;
	s20 =	simm.s32 $0x2800  }
0x10: {  	s11 =	sadd.s32 s4, s5;
	s4 =	sadd.s32 $0xB200, s5;
	s5 =	sadd.s32 $0xB000, s5  }
0x11: {  	s7 =	sadd.s32 s26, s2;
	s8 =	sadd.s32 s28, s2;
	s9 =	sadd.s32 s13, s2  }
0x12: {  	s10 =	sadd.s32 s29, s2;
	s31 =	sshll.u32 s12, $0x1;
	s12 =	sadd.s32 s16, s30  }
0x13: {  	s14 =	sshll.u32 s14, $0x1;
	s15 =	sshll.u32 s15, $0x1;
	s18 =	sshll.u32 s18, $0x1  }
0x14: {  	s11 =	sadd.s32 $0x1000, s11;
	s13 =	sadd.s32 s16, s31;
	s14 =	sadd.s32 s16, s14  }
0x15: {  	s15 =	sadd.s32 s16, s15;
	s16 =	sadd.s32 s16, s18;
	s18 =	simm.s32 $0x3000  }
.LBB2_1:
0x16: {  	[tilespmem:s18], [sflag:$0x1] =	stream.linear.gather [hbm4b:s5+s3], $0x800, $0x38;
	[tilespmem:$0x6000] =	vst v63  }
0x17: {  	_ =	swait.ge [sflag:s19], $0x800  }
0x18: {  	[sflag:s19] =	ssyncset.done $0x0  }
0x19: {  	[sflag:s19] =	ssyncadd.s32 $0xFFFFF800  }
0x1a: {  	[spmem:s6] =	stream.linear.scatter [tilespmem:s18], [sflag:$0x1], $0x800, $0x38;
	[tilespmem:$0x6000] =	vst v63  }
0x1b: {  	_ =	swait.ge [sflag:s19], $0x800  }
0x1c: {  	[sflag:s19] =	ssyncset.done $0x0  }
0x1d: {  	[sflag:s19] =	ssyncadd.s32 $0xFFFFF800  }
0x1e: {  	[spmem:s7] =	stream.linear.scatter [tilespmem:s18], [sflag:$0x1], $0x800, $0x38;
	[tilespmem:$0x6000] =	vst v63  }
0x1f: {  	_ =	swait.ge [sflag:s19], $0x800  }
0x20: {  	[sflag:s19] =	ssyncset.done $0x0  }
0x21: {  	[sflag:s19] =	ssyncadd.s32 $0xFFFFF800  }
0x22: {  	[spmem:s8] =	stream.linear.scatter [tilespmem:s18], [sflag:$0x1], $0x800, $0x38;
	[tilespmem:$0x6000] =	vst v63  }
0x23: {  	_ =	swait.ge [sflag:s19], $0x800  }
0x24: {  	[sflag:s19] =	ssyncset.done $0x0  }
0x25: {  	[sflag:s19] =	ssyncadd.s32 $0xFFFFF800  }
0x26: {  	[spmem:s9] =	stream.linear.scatter [tilespmem:s18], [sflag:$0x1], $0x800, $0x38;
	[tilespmem:$0x6000] =	vst v63  }
0x27: {  	_ =	swait.ge [sflag:s19], $0x800  }
0x28: {  	[sflag:s19] =	ssyncset.done $0x0  }
0x29: {  	[sflag:s19] =	ssyncadd.s32 $0xFFFFF800  }
0x2a: {  	[spmem:s10] =	stream.linear.scatter [tilespmem:s18], [sflag:$0x1], $0x800, $0x38;
	[tilespmem:$0x6000] =	vst v63  }
0x2b: {  	_ =	swait.ge [sflag:s19], $0x800  }
0x2c: {  	[sflag:s19] =	ssyncset.done $0x0  }
0x2d: {  	[sflag:s19] =	ssyncadd.s32 $0xFFFFF800  }
0x2e: {  	[tilespmem:s20], [sflag:$0x1] =	stream.linear.gather [hbm4b:s4+s3], $0x800, $0x38;
	[tilespmem:$0x6000] =	vst v63  }
0x2f: {  	_ =	swait.ge [sflag:s19], $0x800  }
0x30: {  	[sflag:s19] =	ssyncset.done $0x0  }
0x31: {  	[sflag:s19] =	ssyncadd.s32 $0xFFFFF800  }
0x32: {  	[tilespmem:s3], [sflag:$0x1] =	stream.linear.gather [hbm4b:s11+s3], $0x2800, $0x38;
	[tilespmem:$0x6000] =	vst v63  }
0x33: {  	_ =	swait.ge [sflag:s19], $0x2800  }
0x34: {  	[sflag:s19] =	ssyncset.done $0x0  }
0x35: {  	[sflag:s19] =	ssyncadd.s32 $0xFFFFD800  }
0x36: {  	s23 =	simm.s32 $0x0;
	[bflag:$0x0] =	sbarrier.arrive $0xFFFF  }
0x37: {  	[spmem:s2] =	stream.indirect.scatter.add.f32 [tilespmem:s20], [sflag:$0x1], $0x10, s23, s21, $0xb8;
	[tilespmem:$0x6000] =	vst v63  }
0x38: {  	_ =	swait.ge [sflag:s19], $0x800  }
0x39: {  	s23 =	simm.s32 $0x200;
	[sflag:s19] =	ssyncset.done $0x0  }
.LBB2_2:
0x3a: {  	s24 =	sshra.s32 s23, $0x2;
	[sflag:s19] =	ssyncadd.s32 $0xFFFFF800;
	p0 =	sne.s32 s23, $0x9E00  }
0x3b: {  	[spmem:s2] =	stream.indirect.scatter.add.f32 [tilespmem:s20], [sflag:$0x1], $0x10, s24, s21, $0xb8;
	[tilespmem:$0x6000] =	vst v63  }
.Ltmp0:
0x3c: {  	_ = 	snop;
	(pc) =	sbr.rel @p0 .LBB2_2-.Ltmp0, $4  }
0x3d: {  	_ = 	snop  }
0x3e: {  	s23 =	sadd.s32 $0x200, s23  }
0x3f: {  	_ =	swait.ge [sflag:s19], $0x800  }
0x40: {  	[sflag:s19] =	ssyncset.done $0x0  }
0x41: {  	[sflag:s19] =	ssyncadd.s32 $0xFFFFF800  }
0x42: {  	[bflag:$0x0] =	sbarrier.arrive $0xFFFF  }
0x43: {  	[tilespmem:s18], [sflag:$0x1] =	stream.linear.gather [spmem:s6], $0x800, $0x38;
	[tilespmem:$0x6000] =	vst v63  }
0x44: {  	_ =	swait.ge [sflag:s19], $0x800  }
0x45: {  	[sflag:s19] =	ssyncset.done $0x0  }
0x46: {  	[sflag:s19] =	ssyncadd.s32 $0xFFFFF800  }
0x47: {  	[hbm4b:s12+s3] =	stream.linear.scatter [tilespmem:s18], [sflag:$0x1], $0x800, $0x38;
	[tilespmem:$0x6000] =	vst v63  }
0x48: {  	_ =	swait.ge [sflag:s19], $0x800  }
0x49: {  	[sflag:s19] =	ssyncset.done $0x0  }
0x4a: {  	[sflag:s19] =	ssyncadd.s32 $0xFFFFF800  }
0x4b: {  	[tilespmem:s18], [sflag:$0x1] =	stream.linear.gather [spmem:s7], $0x800, $0x38;
	[tilespmem:$0x6000] =	vst v63  }
0x4c: {  	_ =	swait.ge [sflag:s19], $0x800  }
0x4d: {  	[sflag:s19] =	ssyncset.done $0x0  }
0x4e: {  	[sflag:s19] =	ssyncadd.s32 $0xFFFFF800  }
0x4f: {  	[hbm4b:s13+s3] =	stream.linear.scatter [tilespmem:s18], [sflag:$0x1], $0x800, $0x38;
	[tilespmem:$0x6000] =	vst v63  }
0x50: {  	_ =	swait.ge [sflag:s19], $0x800  }
0x51: {  	[sflag:s19] =	ssyncset.done $0x0  }
0x52: {  	[sflag:s19] =	ssyncadd.s32 $0xFFFFF800  }
0x53: {  	[tilespmem:s18], [sflag:$0x1] =	stream.linear.gather [spmem:s8], $0x800, $0x38;
	[tilespmem:$0x6000] =	vst v63  }
0x54: {  	_ =	swait.ge [sflag:s19], $0x800  }
0x55: {  	[sflag:s19] =	ssyncset.done $0x0  }
0x56: {  	[sflag:s19] =	ssyncadd.s32 $0xFFFFF800  }
0x57: {  	[hbm4b:s14+s3] =	stream.linear.scatter [tilespmem:s18], [sflag:$0x1], $0x800, $0x38;
	[tilespmem:$0x6000] =	vst v63  }
0x58: {  	_ =	swait.ge [sflag:s19], $0x800  }
0x59: {  	[sflag:s19] =	ssyncset.done $0x0  }
0x5a: {  	[sflag:s19] =	ssyncadd.s32 $0xFFFFF800  }
0x5b: {  	[tilespmem:s18], [sflag:$0x1] =	stream.linear.gather [spmem:s9], $0x800, $0x38;
	[tilespmem:$0x6000] =	vst v63  }
0x5c: {  	_ =	swait.ge [sflag:s19], $0x800  }
0x5d: {  	[sflag:s19] =	ssyncset.done $0x0  }
0x5e: {  	[sflag:s19] =	ssyncadd.s32 $0xFFFFF800  }
0x5f: {  	[hbm4b:s15+s3] =	stream.linear.scatter [tilespmem:s18], [sflag:$0x1], $0x800, $0x38;
	[tilespmem:$0x6000] =	vst v63  }
0x60: {  	_ =	swait.ge [sflag:s19], $0x800  }
0x61: {  	[sflag:s19] =	ssyncset.done $0x0  }
0x62: {  	[sflag:s19] =	ssyncadd.s32 $0xFFFFF800  }
0x63: {  	[tilespmem:s18], [sflag:$0x1] =	stream.linear.gather [spmem:s10], $0x800, $0x38;
	[tilespmem:$0x6000] =	vst v63  }
0x64: {  	s22 =	sadd.s32 $0x1, s22;
	_ =	swait.ge [sflag:s19], $0x800  }
0x65: {  	p0 =	sne.s32 s22, s17;
	[sflag:s19] =	ssyncset.done $0x0  }
.Ltmp1:
0x66: {  	[sflag:s19] =	ssyncadd.s32 $0xFFFFF800;
	(pc) =	sbr.rel @p0 .LBB2_1-.Ltmp1, $4  }
0x67: {  	[hbm4b:s16+s3] =	stream.linear.scatter [tilespmem:s18], [sflag:$0x1], $0x800, $0x38;
	[tilespmem:$0x6000] =	vst v63  }
0x68: {  	_ =	swait.ge [sflag:s19], $0x800  }
0x69: {  	[sflag:s19] =	ssyncset.done $0x0  }
0x6a: {  	[sflag:s19] =	ssyncadd.s32 $0xFFFFF800  }
0x6b: {  	_ =	sfence.sel $0x180000  }
0x6c: {  	[bflag:$0x0] =	sbarrier.arrive $0xFFFF  }
0x6d: {  	p0 =	sne.s32 s0, $0x0;
	_ =	strace $0x90000047  }
0x6e: {  	s0 =	sadd.s32 @!p0 $0x100000, s1;
	[bflag:$0x2] =	sbarrier.arrive $0xFFFF  }
0x6f: {  	[sflag:s0] =	ssyncadd.tile.s32 @!p0 $0x1;
	_ =	shalt  }
.Lfunc_end2:
_tile_overlayer_lowered:
.L_overlay_start_2:
0x70: {  	(tag) =	ssettag $0x2  }
0x71: {  	s0 =	rddreg [dreg:$0x0];
	s2 =	stileid.u32  }
0x72: {  	s1 =	rddreg [dreg:$0x1];
	p0 =	sne.s32 s2, $0x0  }
0x73: {  	s3 =	rddreg [dreg:$0x2];
	[bflag:$0x3] =	sbarrier.arrive $0xFFFF;
	s2 =	simm.s32 @!p0 $0x1C01  }
0x74: {  	[timem:s3], [sflag:s2] =	dma.local @!p0 [hbm:s0], s1  }
0x75: {  	s0 =	simm.s32 @!p0 $0x1  }
0x76: {  	_ =	swait.ge @!p0 [sflag:s0], s1  }
0x77: {  	s1 =	ssub.s32 @!p0 $0x0, s1;
	[sflag:s0] =	ssyncset.done @!p0 $0x0  }
0x78: {  	[sflag:s0] =	ssyncadd.s32 @!p0 s1  }
0x79: {  	[bflag:$0x3] =	sbarrier.arrive $0xFFFF  }
0x7a: {  	_ =	shalt  }

// kernel: kernel.8.cloned.1.call-start
scs
__scs_entry_jumppad:
0x0: {  	(pc) =	sbr.rel $0x88, $3  }
0x1: {  	(tag) =	ssettag $0x0;
	lr =	simm.s32 $0x1  }
0x2: {  	[smem:$0x3F97] =	sst lr;
	_ =	strace $0xD0000000  }
0x3: {  	_ = 	snop  }
0x4: {  	_ = 	snop  }
0x5: {  	_ = 	snop  }
0x6: {  	_ = 	snop  }
0x7: {  	_ = 	snop  }
__scs_overlays_trampoline_lowered:
0x8: {  	[smem:$0x3FA6] =	sst s0  }
0x9: {  	[smem:$0x3FA7] =	sst s1  }
0xa: {  	[smem:$0x3FA8] =	sst s2  }
0xb: {  	[smem:$0x3FA9] =	sst s3  }
0xc: {  	[smem:$0x3FAA] =	sst s4  }
0xd: {  	[smem:$0x3FAB] =	sst s5  }
0xe: {  	[smem:$0x3FAC] =	sst s6  }
0xf: {  	[smem:$0x3FAD] =	sst s7  }
0x10: {  	[smem:$0x3FAE] =	sst s8  }
0x11: {  	[smem:$0x3FAF] =	sst s9;
	s0 =	simm.s32 @!p0 $0x0  }
0x12: {  	s1 =	sld [smem:$0x3F95];
	s0 =	simm.s32 @p0 $0x1  }
0x13: {  	[smem:$0x3FB0] =	sst s0;
	s0 =	simm.s32 @!p1 $0x0  }
0x14: {  	s2 =	sld [smem:$0x3F94];
	s0 =	simm.s32 @p1 $0x1  }
0x15: {  	[smem:$0x3FB1] =	sst s0;
	s0 =	simm.s32 @!p2 $0x0  }
0x16: {  	s3 =	sld [smem:$0x3FDB];
	s0 =	simm.s32 @p2 $0x1  }
0x17: {  	s4 =	simm.s32 $0x1BF5;
	[smem:$0x3FB3] =	sst s0  }
0x18: {  	s0 =	sld [smem:$0x3F96];
	_ =	swait.ge [sflag:s4], $0x0  }
0x19: {  	s7 =	sld [smem:$0x3F97]  }
0x1a: {  	s8 =	sadd.s32 $0xFFFFE003, lr  }
0x1b: {  	s9 =	sadd.s32 $0xFFFFFEF7, lr;
	s5 =	simm.s32 $0xFFFFFFFF;
	p2 =	slt.u32 s8, $0xFFFFF086  }
0x1c: {  	p1 =	slt.u32 s9, $0xF7A;
	s5 =	simm.s32 @!p2 $0x0  }
0x1d: {  	s5 =	simm.s32 @p1 $0x1;
	p0 =	seq.s32 s7, s2  }
0x1e: {  	s7 =	smul.u32 @!p0 $0xF7A, s2;
	p2 =	seq.s32 @!p0 s5, $0x0  }
0x1f: {  	s9 =	smul.u32 $0xF7A, s1;
	s8 =	simm.s32 @!p0 $0x1BF5;
	p2 =	por !p2, p0  }
0x20: {  	[sflag:s8] =	ssyncset.s32 @!p0 $0xFFFFF086;
	s6 =	sadd.s32 @!p0 s3, s7;
	s7 =	simm.s32 @!p0 $0x108  }
0x21: {  	s3 =	sadd.s32 s3, s9;
	s6 =	sadd.s32 @!p0 $0x88, s6;
	s7 =	simm.s32 @p2 $0x1082  }
0x22: {  	[simem:s7], [sflag:s8] =	dma.local @!p0 [hbm:s6], $0xF7A  }
0x23: {  	s9 =	sor.u32 $0xD0000000, s2;
	s6 =	simm.s32 $0x108;
	_ =	swait.ge @!p0 [sflag:s8], $0x0  }
0x24: {  	s3 =	sadd.s32 $0x88, s3;
	s6 =	simm.s32 @!p1 $0x1082;
	[sflag:s4] =	ssyncset.s32 $0xFFFFF086  }
0x25: {  	[simem:s6], [sflag:s4] =	dma.local [hbm:s3], $0xF7A  }
0x26: {  	[smem:$0x3F97] =	sst s1;
	(tag) =	ssettag s2;
	_ =	strace s9  }
0x27: {  	s1 =	sld [smem:$0x3FA7]  }
0x28: {  	s2 =	sld [smem:$0x3FA8]  }
0x29: {  	s4 =	sld [smem:$0x3FAA]  }
0x2a: {  	p0 =	seq.s32 s5, $0x0;
	s5 =	sld [smem:$0x3FAB]  }
0x2b: {  	s6 =	sld [smem:$0x3FAC]  }
0x2c: {  	s7 =	sld [smem:$0x3FAD]  }
0x2d: {  	s3 =	simm.s32 $0x108;
	s8 =	sld [smem:$0x3FAE]  }
0x2e: {  	s3 =	simm.s32 @!p0 $0x1082;
	s9 =	sld [smem:$0x3FAF]  }
0x2f: {  	lr =	sadd.s32 s0, s3;
	s0 =	sld [smem:$0x3FA6]  }
0x30: {  	s3 =	sld [smem:$0x3FA9]  }
0x31: {  	[smem:$0x3FB2] =	sst s10  }
0x32: {  	s10 =	sld [smem:$0x3FB0];
	_ =	sdelay $0x3  }
0x33: {  	p0 =	seq.s32 s10, $0x1;
	s10 =	sld [smem:$0x3FB2];
	_ =	sdelay $0x3  }
0x34: {  	[smem:$0x3FB2] =	sst s10  }
0x35: {  	s10 =	sld [smem:$0x3FB1];
	_ =	sdelay $0x3  }
0x36: {  	p1 =	seq.s32 s10, $0x1;
	s10 =	sld [smem:$0x3FB2];
	_ =	sdelay $0x3  }
0x37: {  	[smem:$0x3FB2] =	sst s10  }
0x38: {  	s10 =	sld [smem:$0x3FB3]  }
0x39: {  	_ = 	snop;
	(pc) =	sbr.ind lr, $3  }
0x3a: {  	_ = 	snop  }
0x3b: {  	_ = 	snop  }
0x3c: {  	p2 =	seq.s32 s10, $0x1;
	s10 =	sld [smem:$0x3FB2]  }
0x3d: {  	_ =	shalt  }
0x3e: {  	_ =	shalt  }
0x3f: {  	_ =	shalt  }
0x40: {  	_ =	shalt  }
0x41: {  	_ =	shalt  }
0x42: {  	_ =	shalt  }
0x43: {  	_ =	shalt  }
0x44: {  	_ =	shalt  }
0x45: {  	_ =	shalt  }
0x46: {  	_ =	shalt  }
0x47: {  	_ =	shalt  }
0x48: {  	_ =	shalt  }
0x49: {  	_ =	shalt  }
0x4a: {  	_ =	shalt  }
0x4b: {  	_ =	shalt  }
0x4c: {  	_ =	shalt  }
0x4d: {  	_ =	shalt  }
0x4e: {  	_ =	shalt  }
0x4f: {  	_ =	shalt  }
0x50: {  	_ =	shalt  }
0x51: {  	_ =	shalt  }
0x52: {  	_ =	shalt  }
0x53: {  	_ =	shalt  }
0x54: {  	_ =	shalt  }
0x55: {  	_ =	shalt  }
0x56: {  	_ =	shalt  }
0x57: {  	_ =	shalt  }
0x58: {  	_ =	shalt  }
0x59: {  	_ =	shalt  }
0x5a: {  	_ =	shalt  }
0x5b: {  	_ =	shalt  }
0x5c: {  	_ =	shalt  }
0x5d: {  	_ =	shalt  }
0x5e: {  	_ =	shalt  }
0x5f: {  	_ =	shalt  }
0x60: {  	_ =	shalt  }
0x61: {  	_ =	shalt  }
0x62: {  	_ =	shalt  }
0x63: {  	_ =	shalt  }
0x64: {  	_ =	shalt  }
0x65: {  	_ =	shalt  }
0x66: {  	_ =	shalt  }
0x67: {  	_ =	shalt  }
0x68: {  	_ =	shalt  }
0x69: {  	_ =	shalt  }
0x6a: {  	_ =	shalt  }
0x6b: {  	_ =	shalt  }
0x6c: {  	_ =	shalt  }
0x6d: {  	_ =	shalt  }
0x6e: {  	_ =	shalt  }
0x6f: {  	_ =	shalt  }
0x70: {  	_ =	shalt  }
0x71: {  	_ =	shalt  }
0x72: {  	_ =	shalt  }
0x73: {  	_ =	shalt  }
0x74: {  	_ =	shalt  }
0x75: {  	_ =	shalt  }
0x76: {  	_ =	shalt  }
0x77: {  	_ =	shalt  }
0x78: {  	_ =	shalt  }
0x79: {  	_ =	shalt  }
0x7a: {  	_ =	shalt  }
0x7b: {  	_ =	shalt  }
0x7c: {  	_ =	shalt  }
0x7d: {  	_ =	shalt  }
0x7e: {  	_ =	shalt  }
0x7f: {  	_ =	shalt  }
0x80: {  	_ =	shalt  }
0x81: {  	_ =	shalt  }
0x82: {  	_ =	shalt  }
0x83: {  	_ =	shalt  }
0x84: {  	_ =	shalt  }
0x85: {  	_ =	shalt  }
0x86: {  	_ =	shalt  }
0x87: {  	_ =	shalt  }
.Lfunc_end0:
.L_simem_size_0:
called_computation.1_lowered:
.L_overlay_start_0:
0x88: {  	s2 =	sld [smem:$0x3FD9]  }
0x89: {  	s3 =	sld [smem:$0x3FFE];
	_ =	sdelay $0x1  }
0x8a: {  	s1 =	srdreg.scid  }
0x8b: {  	s0 =	sand.u32 $0x1, s1  }
0x8c: {  	s17 =	sshll.u32 s0, $0xA;
	s2 =	sadd.s32 s3, s2  }
0x8d: {  	s2 =	sadd.s32 s2, s17  }
0x8e: {  	[smem:$0x3FBE] =	sst s2  }
0x8f: {  	_ = 	snop  }
0x90: {  	s2 =	sld [smem:$0x3FD0];
	(tm) =	ssettm $0x1  }
0x91: {  	s18 =	sld [smem:$0x3FFB];
	_ =	sdelay $0x3  }
0x92: {  	_ =	strace s18  }
0x93: {  	s3 =	sld [smem:$0x3FFC];
	_ =	sdelay $0x3  }
0x94: {  	_ =	strace s3  }
0x95: {  	s3 =	sld [smem:$0x3FFD];
	_ =	sdelay $0x3  }
0x96: {  	_ =	strace s3  }
0x97: {  	_ =	strace $0x8FFFFFFF  }
0x98: {  	s19 =	sld [smem:$0x3FDB];
	_ =	sdelay $0x1  }
0x99: {  	s4 =	simm.s32 $_scs_section_size  }
0x9a: {  	s5 =	simm.s32 $_size__tile_overlayer_lowered;
	s6 =	simm.s32 $_tile_overlayer_lowered  }
0x9b: {  	s22 =	simm.s32 $0x1BFF;
	s21 =	sshll.u32 s6, $0x1;
	s3 =	sadd.s32 s4, s19  }
0x9c: {  	s7 =	simm.s32 $0x0;
	s20 =	sshll.u32 s5, $0x1;
	s5 =	sadd.s32 s21, s3  }
0x9d: {  	[timem:s7], [sflag:s22] =	dma.local [hbm:s5], s20  }
0x9e: {  	_ =	swait.ge [sflag:s22], s20  }
0x9f: {  	s4 =	ssub.s32 $0x0, s20;
	[sflag:s22] =	ssyncset.done $0x0  }
0xa0: {  	[sflag:s22] =	ssyncadd.s32 s4;
	_ =	sdelay $0x1  }
0xa1: {  	s23 =	simm.s32 $0x1B8B  }
0xa2: {  	_ =	swait.ge [sflag:s23], $0x1  }
0xa3: {  	[sflag:s23] =	ssyncset.done $0x0  }
0xa4: {  	s25 =	simm.s32 $0x1B8E;
	s24 =	sld [smem:$0x3FFE];
	[sflag:s23] =	ssyncadd.s32 $0xFFFFFFFF  }
0xa5: {  	s26 =	simm.s32 $execute0_lowered;
	[smem:$0x3FD2] =	sst s25  }
0xa6: {  	s5 =	sshll.u32 s26, $0x1;
	_ =	strace $0x80000049;
	[dreg:$0x1] =	wrdreg $0xFFFFFFFF  }
0xa7: {  	s28 =	simm.s32 $_size_execute0_lowered;
	s3 =	sadd.s32 s3, s5;
	[dreg:$0x0] =	wrdreg $0x0  }
0xa8: {  	s5 =	sshll.u32 s28, $0x1;
	[dreg:$0x2] =	wrdreg s3  }
0xa9: {  	[dreg:$0x3] =	wrdreg s5  }
0xaa: {  	[dreg:$0x4] =	wrdreg $0xC0  }
0xab: {  	_ =	task [dreg:s7], $0x5FFFF  }
0xac: {  	[dreg:$0x1] =	wrdreg $0xFFFFFFFF  }
0xad: {  	[dreg:$0x0] =	wrdreg $0x60  }
0xae: {  	[dreg:$0x2] =	wrdreg s2  }
0xaf: {  	[dreg:$0x3] =	wrdreg s24  }
0xb0: {  	[dreg:$0x4] =	wrdreg $0xE0000  }
0xb1: {  	[dreg:$0x5] =	wrdreg $0x130000  }
0xb2: {  	[dreg:$0x6] =	wrdreg $0x9  }
0xb3: {  	_ =	task.clear_ibuf [dreg:s7], $0x7FFFF;
	_ =	strace $0x90000049  }
0xb4: {  	s29 =	simm.s32 $0x9;
	_ =	strace $0x8000004B  }
0xb5: {  	_ =	swait.ge [sflag:s29], $0x1  }
0xb6: {  	[sflag:s29] =	ssyncadd.s32 $0xFFFFFFFF  }
0xb7: {  	_ =	strace $0x9000004B  }
0xb8: {  	_ =	sfence  }
0xb9: {  	s30 =	sld [smem:$0x0];
	_ =	sdelay $0x2  }
0xba: {  	s31 =	sshll.u32 s1, $0xD;
	s1 =	sshrl.u32 s1, $0x2  }
0xbb: {  	s3 =	sand.u32 $0x4000, s31;
	s1 =	sadd.s32 s1, s30  }
0xbc: {  	s0 =	sor.u32 s3, s0;
	s1 =	sshll.u32 s1, $0x11  }
0xbd: {  	s0 =	sor.u32 s1, s0  }
0xbe: {  	s0 =	sadd.s32 $0x8F2B, s0  }
0xbf: {  	[sflag:s0] =	ssyncadd.remote.s32 $0x1  }
0xc0: {  	_ =	sfence.sel $0xFFFF  }
0xc1: {  	[dreg:$0x0] =	wrdreg $0xFFFFFFFF;
	(pc) =	sbr.abs _section_cstart, $3  }
0xc2: {  	[dreg:$0x1] =	wrdreg $0xFFFFFFFF  }
0xc3: {  	_ =	task.clear_ibuf [dreg:s7], $0x2FFFF;
	_ =	strace $0x9FFFFFFF  }
0xc4: {  	(tm) =	ssettm $0x7FFFFFFF  }
0xc5: {  	_ =	shalt  }
tec
execute0_lowered:
.L_overlay_start_1:
0x0: {  	(tag) =	ssettag $0x1  }
0x1: {  	s1 =	rddreg [dreg:$0x0]  }
0x2: {  	s4 =	rddreg [dreg:$0x1]  }
0x3: {  	s2 =	rddreg [dreg:$0x2]  }
0x4: {  	s0 =	srdreg.scid;
	s20 =	stileid.u32  }
0x5: {  	s3 =	rddreg [dreg:$0x3];
	s6 =	smul.u32 $0x280, s20  }
0x6: {  	s0 =	sand.u32 $0x1, s0;
	s7 =	sadd.s32 $0xB400, s4;
	s17 =	smul.u32 $0x5000, s20  }
0x7: {  	s10 =	sadd.s32 $0x1000, s4;
	s11 =	sadd.s32 $0x65800, s4;
	s19 =	smul.u32 $0xA00, s20  }
0x8: {  	s21 =	smul.u32 $0x14000, s20;
	s4 =	sadd.s32 $0x65400, s4;
	s5 =	ssub.s32 $0x2, s0  }
0x9: {  	s9 =	smul.u32 $0x2800, s0;
	s8 =	sshrl.u32 s5, $0x1;
	s12 =	sadd.s32 $0x100, s6  }
0xa: {  	s17 =	sshrl.u32 s17, $0x3;
	s26 =	sadd.s32 s7, s19;
	s19 =	sadd.s32 s10, s19  }
0xb: {  	s0 =	ssub.s32 s5, s8;
	s22 =	sadd.s32 s6, s9;
	[dreg:$0xa] =	wrdreg s26  }
0xc: {  	s8 =	sadd.s32 $0x80, s6;
	s15 =	sadd.s32 s9, s12;
	[dreg:$0xb] =	wrdreg s19  }
0xd: {  	s13 =	sshll.u32 s22, $0x2;
	s14 =	sadd.s32 s9, s8;
	s16 =	sshll.u32 s15, $0x2  }
0xe: {  	s5 =	sshll.u32 s22, $0x3;
	s31 =	smax.u32 s0, $0x1;
	s0 =	simm.s32 $0xB000  }
0xf: {  	s13 =	sadd.s32 s1, s13;
	s23 =	sshll.u32 s14, $0x2;
	s24 =	sadd.s32 s1, s16  }
0x10: {  	s22 =	sshll.u32 s14, $0x3;
	s5 =	sadd.s32 s11, s5;
	[dreg:$0x5] =	wrdreg s13  }
0x11: {  	s14 =	sshll.u32 s8, $0x6;
	s13 =	sadd.s32 s1, s23;
	[dreg:$0x7] =	wrdreg s24  }
0x12: {  	[dreg:$0xe] =	wrdreg s5;
	s23 =	sadd.s32 s11, s22;
	s24 =	sshll.u32 s15, $0x3  }
0x13: {  	[dreg:$0x6] =	wrdreg s13;
	s13 =	sadd.s32 $0x180, s6;
	s6 =	sadd.s32 $0x200, s6  }
0x14: {  	[dreg:$0xf] =	wrdreg s23;
	s5 =	sadd.s32 s11, s24;
	s23 =	sadd.s32 s14, s3  }
0x15: {  	s14 =	simm.s32 $0x3;
	s16 =	sadd.s32 s9, s13;
	s9 =	sadd.s32 s9, s6  }
0x16: {  	[dreg:$0x10] =	wrdreg s5;
	s19 =	sshll.u32 s13, $0x5;
	s22 =	sshll.u32 s6, $0x5  }
0x17: {  	s24 =	sshll.u32 s6, $0x6;
	s6 =	simm.s32 $0x80;
	s18 =	sshll.u32 s16, $0x2  }
0x18: {  	s25 =	sshll.u32 s9, $0x2;
	s26 =	sshll.u32 s9, $0x3;
	s9 =	smul.u32 $0x28000, s20  }
0x19: {  	s20 =	sshll.u32 s13, $0x6;
	s29 =	sadd.s32 s22, s2;
	s30 =	sadd.s32 s24, s3  }
0x1a: {  	s13 =	simm.s32 $0x9000;
	s18 =	sadd.s32 s1, s18;
	s1 =	sadd.s32 s1, s25  }
0x1b: {  	s25 =	sshll.u32 s16, $0x3;
	s16 =	sshll.u32 s12, $0x5;
	[dreg:$0x8] =	wrdreg s18  }
0x1c: {  	s28 =	sadd.s32 s20, s3;
	[dreg:$0x9] =	wrdreg s1;
	s18 =	sadd.s32 $0x500, s17  }
0x1d: {  	s5 =	sadd.s32 s11, s25;
	s17 =	sshll.u32 s12, $0x6;
	s12 =	simm.s32 $0x4  }
0x1e: {  	s7 =	sadd.s32 s7, s18;
	s1 =	sadd.s32 s10, s18;
	[dreg:$0x11] =	wrdreg s5  }
0x1f: {  	s18 =	simm.s32 $0x0;
	s10 =	sshrl.u32 s9, $0x2;
	[dreg:$0xc] =	wrdreg s7  }
0x20: {  	s25 =	sadd.s32 s17, s3;
	s5 =	simm.s32 $0x2800;
	[dreg:$0xd] =	wrdreg s1  }
0x21: {  	s9 =	simm.s32 $0x1;
	s7 =	sadd.s32 s11, s26;
	[smem:$0x7FF] =	sst s18  }
0x22: {  	s1 =	sshrl.u32 s21, $0x2;
	s11 =	sshll.u32 s8, $0x5;
	s21 =	sadd.s32 s10, s3  }
0x23: {  	s26 =	sadd.s32 s19, s2;
	s8 =	simm.s32 $0x6000;
	s10 =	simm.s32 $0x7000  }
.Ltmp0:
0x24: {  	[dreg:$0x12] =	wrdreg s7;
	s1 =	sadd.s32 s1, s2;
	(pc) =	sbr.rel .LBB2_1-.Ltmp0, $4  }
0x25: {  	s15 =	sadd.s32 s11, s2;
	_ =	strace $0x8000004A;
	[dreg:$0x13] =	wrdreg s4  }
0x26: {  	s7 =	simm.s32 $0x5000;
	s11 =	simm.s32 $0x2;
	[dreg:$0x14] =	wrdreg s1  }
0x27: {  	[dreg:$0x15] =	wrdreg s15;
	s1 =	sadd.s32 s16, s2;
	s4 =	simm.s32 $0xD000  }
0x28: {  	s15 =	simm.s32 $0x0;
	[dreg:$0x16] =	wrdreg s1;
	s1 =	simm.s32 $0x5  }
.LBB2_23:
0x29: {  	_ =	swait.ge [sflag:s14], $0x2000  }
0x2a: {  	[sflag:s14] =	ssyncset.done $0x0  }
0x2b: {  	[sflag:s14] =	ssyncadd.s32 $0xFFFFE000  }
0x2c: {  	_ =	swait.ge [sflag:s12], $0x2000  }
0x2d: {  	[sflag:s12] =	ssyncset.done $0x0  }
0x2e: {  	[sflag:s12] =	ssyncadd.s32 $0xFFFFE000  }
0x2f: {  	[bflag:$0x0] =	sbarrier.arrive $0xFFFF  }
0x30: {  	[tilespmem:s0], [sflag:$0x5] =	stream.linear.gather [spmem:s21], $0x2000, $0x38;
	[tilespmem:$0x1D000] =	vst v63  }
0x31: {  	_ =	swait.ge [sflag:s1], $0x2000  }
0x32: {  	[sflag:s1] =	ssyncset.done $0x0  }
0x33: {  	s16 =	rddreg [dreg:$0xe];
	[sflag:s1] =	ssyncadd.s32 $0xFFFFE000  }
0x34: {  	[hbm4b:s16+s18] =	stream.linear.scatter [tilespmem:s0], [sflag:$0x5], $0x2000, $0x38;
	[tilespmem:$0x1D000] =	vst v63  }
0x35: {  	_ =	swait.ge [sflag:s1], $0x2000  }
0x36: {  	[sflag:s1] =	ssyncset.done $0x0  }
0x37: {  	[sflag:s1] =	ssyncadd.s32 $0xFFFFE000  }
0x38: {  	[tilespmem:s0], [sflag:$0x5] =	stream.linear.gather [spmem:s23], $0x2000, $0x38;
	[tilespmem:$0x1D000] =	vst v63  }
0x39: {  	_ =	swait.ge [sflag:s1], $0x2000  }
0x3a: {  	[sflag:s1] =	ssyncset.done $0x0  }
0x3b: {  	s19 =	rddreg [dreg:$0xf];
	[sflag:s1] =	ssyncadd.s32 $0xFFFFE000  }
0x3c: {  	[hbm4b:s19+s18] =	stream.linear.scatter [tilespmem:s0], [sflag:$0x5], $0x2000, $0x38;
	[tilespmem:$0x1D000] =	vst v63  }
0x3d: {  	_ =	swait.ge [sflag:s1], $0x2000  }
0x3e: {  	[sflag:s1] =	ssyncset.done $0x0  }
0x3f: {  	[sflag:s1] =	ssyncadd.s32 $0xFFFFE000  }
0x40: {  	[tilespmem:s0], [sflag:$0x5] =	stream.linear.gather [spmem:s25], $0x2000, $0x38;
	[tilespmem:$0x1D000] =	vst v63  }
0x41: {  	_ =	swait.ge [sflag:s1], $0x2000  }
0x42: {  	[sflag:s1] =	ssyncset.done $0x0  }
0x43: {  	s20 =	rddreg [dreg:$0x10];
	[sflag:s1] =	ssyncadd.s32 $0xFFFFE000  }
0x44: {  	[hbm4b:s20+s18] =	stream.linear.scatter [tilespmem:s0], [sflag:$0x5], $0x2000, $0x38;
	[tilespmem:$0x1D000] =	vst v63  }
0x45: {  	_ =	swait.ge [sflag:s1], $0x2000  }
0x46: {  	[sflag:s1] =	ssyncset.done $0x0  }
0x47: {  	[sflag:s1] =	ssyncadd.s32 $0xFFFFE000  }
0x48: {  	[tilespmem:s0], [sflag:$0x5] =	stream.linear.gather [spmem:s28], $0x2000, $0x38;
	[tilespmem:$0x1D000] =	vst v63  }
0x49: {  	_ =	swait.ge [sflag:s1], $0x2000  }
0x4a: {  	[sflag:s1] =	ssyncset.done $0x0  }
0x4b: {  	s22 =	rddreg [dreg:$0x11];
	[sflag:s1] =	ssyncadd.s32 $0xFFFFE000  }
0x4c: {  	[hbm4b:s22+s18] =	stream.linear.scatter [tilespmem:s0], [sflag:$0x5], $0x2000, $0x38;
	[tilespmem:$0x1D000] =	vst v63  }
0x4d: {  	_ =	swait.ge [sflag:s1], $0x2000  }
0x4e: {  	[sflag:s1] =	ssyncset.done $0x0  }
0x4f: {  	[sflag:s1] =	ssyncadd.s32 $0xFFFFE000  }
0x50: {  	[tilespmem:s0], [sflag:$0x5] =	stream.linear.gather [spmem:s30], $0x2000, $0x38;
	[tilespmem:$0x1D000] =	vst v63  }
0x51: {  	s15 =	sadd.s32 $0x1, s15;
	_ =	swait.ge [sflag:s1], $0x2000  }
0x52: {  	p0 =	sne.s32 s15, s31;
	[sflag:s1] =	ssyncset.done $0x0  }
.Ltmp1:
0x53: {  	s24 =	rddreg [dreg:$0x12];
	[sflag:s1] =	ssyncadd.s32 $0xFFFFE000;
	(pc) =	sbr.rel @!p0 .LBB2_24-.Ltmp1, $4  }
0x54: {  	[hbm4b:s24+s18] =	stream.linear.scatter [tilespmem:s0], [sflag:$0x5], $0x2000, $0x38;
	[tilespmem:$0x1D000] =	vst v63  }
0x55: {  	_ =	swait.ge [sflag:s1], $0x2000  }
0x56: {  	[sflag:s1] =	ssyncset.done $0x0  }
0x57: {  	[sflag:s1] =	ssyncadd.s32 $0xFFFFE000  }
.LBB2_1:
0x58: {  	s16 =	rddreg [dreg:$0x13]  }
0x59: {  	[tilespmem:s0], [sflag:$0x5] =	stream.linear.gather [hbm4b:s16+s18], $0x2000, $0x38;
	[tilespmem:$0x1D000] =	vst v63  }
0x5a: {  	_ =	swait.ge [sflag:s1], $0x2000  }
0x5b: {  	[sflag:s1] =	ssyncset.done $0x0  }
0x5c: {  	s17 =	rddreg [dreg:$0x5];
	[sflag:s1] =	ssyncadd.s32 $0xFFFFE000  }
0x5d: {  	[tilespmem:s4], [sflag:$0x5] =	stream.linear.gather [hbm4b:s17+s18], $0x1000, $0x38;
	[tilespmem:$0x1D000] =	vst v63  }
0x5e: {  	_ =	swait.ge [sflag:s1], $0x1000  }
0x5f: {  	[sflag:s1] =	ssyncset.done $0x0  }
0x60: {  	s19 =	rddreg [dreg:$0x14];
	[sflag:s1] =	ssyncadd.s32 $0xFFFFF000  }
0x61: {  	[spmem:s19] =	stream.linear.scatter [tilespmem:s4], [sflag:$0x5], $0x1000, $0x38;
	[tilespmem:$0x1D000] =	vst v63  }
0x62: {  	_ =	swait.ge [sflag:s1], $0x1000  }
0x63: {  	[sflag:s1] =	ssyncset.done $0x0  }
0x64: {  	[sflag:s1] =	ssyncadd.s32 $0xFFFFF000  }
0x65: {  	[spmem:s21] =	stream.linear.scatter [tilespmem:s0], [sflag:$0x5], $0x2000, $0x38;
	[tilespmem:$0x1D000] =	vst v63  }
0x66: {  	_ =	swait.ge [sflag:s1], $0x2000  }
0x67: {  	[sflag:s1] =	ssyncset.done $0x0  }
0x68: {  	s20 =	rddreg [dreg:$0x6];
	[sflag:s1] =	ssyncadd.s32 $0xFFFFE000  }
0x69: {  	[tilespmem:s4], [sflag:$0x5] =	stream.linear.gather [hbm4b:s20+s18], $0x1000, $0x38;
	[tilespmem:$0x1D000] =	vst v63  }
0x6a: {  	_ =	swait.ge [sflag:s1], $0x1000  }
0x6b: {  	[sflag:s1] =	ssyncset.done $0x0  }
0x6c: {  	s22 =	rddreg [dreg:$0x15];
	[sflag:s1] =	ssyncadd.s32 $0xFFFFF000  }
0x6d: {  	[spmem:s22] =	stream.linear.scatter [tilespmem:s4], [sflag:$0x5], $0x1000, $0x38;
	[tilespmem:$0x1D000] =	vst v63  }
0x6e: {  	_ =	swait.ge [sflag:s1], $0x1000  }
0x6f: {  	[sflag:s1] =	ssyncset.done $0x0  }
0x70: {  	[sflag:s1] =	ssyncadd.s32 $0xFFFFF000  }
0x71: {  	[spmem:s23] =	stream.linear.scatter [tilespmem:s0], [sflag:$0x5], $0x2000, $0x38;
	[tilespmem:$0x1D000] =	vst v63  }
0x72: {  	_ =	swait.ge [sflag:s1], $0x2000  }
0x73: {  	[sflag:s1] =	ssyncset.done $0x0  }
0x74: {  	s24 =	rddreg [dreg:$0x7];
	[sflag:s1] =	ssyncadd.s32 $0xFFFFE000  }
0x75: {  	[tilespmem:s4], [sflag:$0x5] =	stream.linear.gather [hbm4b:s24+s18], $0x1000, $0x38;
	[tilespmem:$0x1D000] =	vst v63  }
0x76: {  	_ =	swait.ge [sflag:s1], $0x1000  }
0x77: {  	[sflag:s1] =	ssyncset.done $0x0  }
0x78: {  	s17 =	rddreg [dreg:$0x16];
	[sflag:s1] =	ssyncadd.s32 $0xFFFFF000  }
0x79: {  	[spmem:s17] =	stream.linear.scatter [tilespmem:s4], [sflag:$0x5], $0x1000, $0x38;
	[tilespmem:$0x1D000] =	vst v63  }
0x7a: {  	_ =	swait.ge [sflag:s1], $0x1000  }
0x7b: {  	[sflag:s1] =	ssyncset.done $0x0  }
0x7c: {  	[sflag:s1] =	ssyncadd.s32 $0xFFFFF000  }
0x7d: {  	[spmem:s25] =	stream.linear.scatter [tilespmem:s0], [sflag:$0x5], $0x2000, $0x38;
	[tilespmem:$0x1D000] =	vst v63  }
0x7e: {  	_ =	swait.ge [sflag:s1], $0x2000  }
0x7f: {  	[sflag:s1] =	ssyncset.done $0x0  }
0x80: {  	s19 =	rddreg [dreg:$0x8];
	[sflag:s1] =	ssyncadd.s32 $0xFFFFE000  }
0x81: {  	[tilespmem:s4], [sflag:$0x5] =	stream.linear.gather [hbm4b:s19+s18], $0x1000, $0x38;
	[tilespmem:$0x1D000] =	vst v63  }
0x82: {  	_ =	swait.ge [sflag:s1], $0x1000  }
0x83: {  	[sflag:s1] =	ssyncset.done $0x0  }
0x84: {  	[sflag:s1] =	ssyncadd.s32 $0xFFFFF000  }
0x85: {  	[spmem:s26] =	stream.linear.scatter [tilespmem:s4], [sflag:$0x5], $0x1000, $0x38;
	[tilespmem:$0x1D000] =	vst v63  }
0x86: {  	_ =	swait.ge [sflag:s1], $0x1000  }
0x87: {  	[sflag:s1] =	ssyncset.done $0x0  }
0x88: {  	[sflag:s1] =	ssyncadd.s32 $0xFFFFF000  }
0x89: {  	[spmem:s28] =	stream.linear.scatter [tilespmem:s0], [sflag:$0x5], $0x2000, $0x38;
	[tilespmem:$0x1D000] =	vst v63  }
0x8a: {  	_ =	swait.ge [sflag:s1], $0x2000  }
0x8b: {  	[sflag:s1] =	ssyncset.done $0x0  }
0x8c: {  	s20 =	rddreg [dreg:$0x9];
	[sflag:s1] =	ssyncadd.s32 $0xFFFFE000  }
0x8d: {  	[tilespmem:s4], [sflag:$0x5] =	stream.linear.gather [hbm4b:s20+s18], $0x1000, $0x38;
	[tilespmem:$0x1D000] =	vst v63  }
0x8e: {  	_ =	swait.ge [sflag:s1], $0x1000  }
0x8f: {  	[sflag:s1] =	ssyncset.done $0x0  }
0x90: {  	[sflag:s1] =	ssyncadd.s32 $0xFFFFF000  }
0x91: {  	[spmem:s29] =	stream.linear.scatter [tilespmem:s4], [sflag:$0x5], $0x1000, $0x38;
	[tilespmem:$0x1D000] =	vst v63  }
0x92: {  	_ =	swait.ge [sflag:s1], $0x1000  }
0x93: {  	[sflag:s1] =	ssyncset.done $0x0  }
0x94: {  	[sflag:s1] =	ssyncadd.s32 $0xFFFFF000  }
0x95: {  	[spmem:s30] =	stream.linear.scatter [tilespmem:s0], [sflag:$0x5], $0x2000, $0x38;
	[tilespmem:$0x1D000] =	vst v63  }
0x96: {  	_ =	swait.ge [sflag:s1], $0x2000  }
0x97: {  	[sflag:s1] =	ssyncset.done $0x0  }
0x98: {  	[sflag:s1] =	ssyncadd.s32 $0xFFFFE000  }
0x99: {  	[bflag:$0x0] =	sbarrier.arrive $0xFFFF  }
0x9a: {  	s22 =	rddreg [dreg:$0xa]  }
0x9b: {  	[tilespmem:s18], [sflag:$0x5] =	stream.linear.gather [hbm4b:s22+s18], $0x2800, $0x38;
	[tilespmem:$0x1D000] =	vst v63  }
0x9c: {  	_ =	swait.ge [sflag:s1], $0x2800  }
0x9d: {  	[sflag:s1] =	ssyncset.done $0x0  }
0x9e: {  	s24 =	rddreg [dreg:$0xb];
	[sflag:s1] =	ssyncadd.s32 $0xFFFFD800  }
0x9f: {  	[tilespmem:s5], [sflag:$0x5] =	stream.linear.gather [hbm4b:s24+s18], $0x2800, $0x38;
	[tilespmem:$0x1D000] =	vst v63  }
0xa0: {  	_ =	swait.ge [sflag:s1], $0x2800  }
0xa1: {  	[sflag:s1] =	ssyncset.done $0x0  }
0xa2: {  	[sflag:s1] =	ssyncadd.s32 $0xFFFFD800  }
0xa3: {  	[tilespmem:s7], [sflag:$0x1] =	stream.indirect.gather [spmem:s2], $0x20, s18, s6, $0xb8;
	[tilespmem:$0x1D000] =	vst v63  }
0xa4: {  	s16 =	simm.s32 $0x0  }
0xa5: {  	[tilespmem:s8], [sflag:$0x2] =	stream.indirect.gather [spmem:s2], $0x20, s6, s6, $0xb8;
	[tilespmem:$0x1D000] =	vst v63  }
.LBB2_2:
0xa6: {  	_ =	swait.ge [sflag:s9], $0x1000  }
0xa7: {  	p0 =	seq.s32 s16, $0x0;
	[sflag:s9] =	ssyncset.done $0x0  }
0xa8: {  	s17 =	simm.s32 @!p0 $0x3;
	[sflag:s9] =	ssyncadd.s32 $0xFFFFF000  }
0xa9: {  	_ =	swait.ge @!p0 [sflag:s17], $0x2000  }
0xaa: {  	[sflag:s17] =	ssyncset.done @!p0 $0x0  }
0xab: {  	s20 =	simm.s32 $0x0;
	[sflag:s17] =	ssyncadd.s32 @!p0 $0xFFFFE000  }
0xac: {  	v0 =	vld [tilespmem:s20+$0x5000];
	_ =	sdelay $0x4  }
0xad: {  	s17 =	simm.s32 $0x7020;
	v1 =	vshll.u32 v0, $0x10  }
0xae: {  	v0 =	vand.u32 $0xFFFF0000, v0;
	[tilespmem:s17+$0xFFFFFFE0] =	vst v1  }
0xaf: {  	[tilespmem:s17+$0xFFFFFFF0] =	vst v0  }
0xb0: {  	s19 =	sshll.u32 s16, $0xA;
	s22 =	simm.s32 $0x80;
	v0 =	vld [tilespmem:s20+$0x5010];
	s20 =	simm.s32 $0x7020  }
.LBB2_3:
0xb1: {  	_ =	sdelay $0x2  }
0xb2: {  	p1 =	sne.s32 s22, $0x3F80  }
0xb3: {  	s17 =	sadd.s32 $0x40, s17;
	s24 =	smov.u32 s22;
	s22 =	sadd.s32 $0x80, s22;
	v1 =	vshll.u32 v0, $0x10;
	v0 =	vand.u32 $0xFFFF0000, v0  }
0xb4: {  	[tilespmem:s20+$0x0] =	vst v1  }
0xb5: {  	s24 =	sshra.s32 s24, $0x2;
	[tilespmem:s20+$0x10] =	vst v0;
	s20 =	smov.u32 s17  }
0xb6: {  	v0 =	vld [tilespmem:s24+$0x5000];
	_ =	sdelay $0x3  }
.Ltmp2:
0xb7: {  	(pc) =	sbr.rel @p1 .LBB2_3-.Ltmp2, $4  }
0xb8: {  	v1 =	vshll.u32 v0, $0x10;
	v0 =	vand.u32 $0xFFFF0000, v0  }
0xb9: {  	[tilespmem:s17+$0xFFFFFFE0] =	vst v1  }
0xba: {  	[tilespmem:s17+$0xFFFFFFF0] =	vst v0  }
0xbb: {  	v0 =	vld [tilespmem:s24+$0x5010]  }
0xbc: {  	_ =	sdelay $0x1  }
0xbd: {  	p1 =	sne.s32 s16, $0x27  }
.Ltmp3:
0xbe: {  	_ = 	snop;
	(pc) =	sbr.rel @p1 .LBB2_6-.Ltmp3, $4  }
0xbf: {  	v1 =	vshll.u32 v0, $0x10  }
0xc0: {  	s17 =	sshrl.u32 s19, $0x2;
	v63 =	vand.u32 $0xFFFF0000, v0;
	[tilespmem:s20+$0x0] =	vst v1  }
0xc1: {  	s19 =	sadd.s32 $0x2800, s17;
	[tilespmem:s20+$0x10] =	vst v63  }
0xc2: {  	[spmem:s3] =	stream.indirect.scatter.add.f32 [tilespmem:s10], [sflag:$0x3], $0x40, s19, s6, $0xb8;
	[tilespmem:$0x1D000] =	vst v63  }
.Ltmp4:
0xc3: {  	(pc) =	sbr.rel .LBB2_7-.Ltmp4, $4  }
0xc4: {  	_ = 	snop  }
0xc5: {  	_ =	swait.ge [sflag:s11], $0x1000  }
0xc6: {  	[sflag:s11] =	ssyncset.done $0x0  }
0xc7: {  	[sflag:s11] =	ssyncadd.s32 $0xFFFFF000  }
.LBB2_6:
.Ltmp5:
0xc8: {  	s19 =	sadd.s32 $0x100, s17;
	(pc) =	sbr.rel @p0 .LBB2_8-.Ltmp5, $4  }
0xc9: {  	[tilespmem:s7], [sflag:$0x1] =	stream.indirect.gather [spmem:s2], $0x20, s19, s6, $0xb8;
	[tilespmem:$0x1D000] =	vst v63  }
0xca: {  	_ =	swait.ge [sflag:s11], $0x1000  }
0xcb: {  	[sflag:s11] =	ssyncset.done $0x0  }
0xcc: {  	[sflag:s11] =	ssyncadd.s32 $0xFFFFF000  }
.LBB2_7:
0xcd: {  	_ =	swait.ge [sflag:s12], $0x2000  }
0xce: {  	[sflag:s12] =	ssyncset.done $0x0  }
0xcf: {  	[sflag:s12] =	ssyncadd.s32 $0xFFFFE000  }
.LBB2_8:
0xd0: {  	s20 =	simm.s32 $0x0  }
0xd1: {  	v0 =	vld [tilespmem:s20+$0x6000];
	_ =	sdelay $0x4  }
0xd2: {  	s19 =	simm.s32 $0x9020;
	v1 =	vshll.u32 v0, $0x10  }
0xd3: {  	v0 =	vand.u32 $0xFFFF0000, v0;
	[tilespmem:s19+$0xFFFFFFE0] =	vst v1  }
0xd4: {  	[tilespmem:s19+$0xFFFFFFF0] =	vst v0  }
0xd5: {  	s22 =	simm.s32 $0x80;
	v0 =	vld [tilespmem:s20+$0x6010];
	s20 =	simm.s32 $0x9020  }
.LBB2_9:
0xd6: {  	_ =	sdelay $0x2  }
0xd7: {  	p0 =	sne.s32 s22, $0x3F80  }
0xd8: {  	s19 =	sadd.s32 $0x40, s19;
	s24 =	smov.u32 s22;
	s22 =	sadd.s32 $0x80, s22;
	v1 =	vshll.u32 v0, $0x10;
	v0 =	vand.u32 $0xFFFF0000, v0  }
0xd9: {  	[tilespmem:s20+$0x0] =	vst v1  }
0xda: {  	s24 =	sshra.s32 s24, $0x2;
	[tilespmem:s20+$0x10] =	vst v0;
	s20 =	smov.u32 s19  }
0xdb: {  	v0 =	vld [tilespmem:s24+$0x6000];
	_ =	sdelay $0x3  }
.Ltmp6:
0xdc: {  	(pc) =	sbr.rel @p0 .LBB2_9-.Ltmp6, $4  }
0xdd: {  	v1 =	vshll.u32 v0, $0x10;
	v0 =	vand.u32 $0xFFFF0000, v0  }
0xde: {  	[tilespmem:s19+$0xFFFFFFE0] =	vst v1  }
0xdf: {  	[tilespmem:s19+$0xFFFFFFF0] =	vst v0  }
0xe0: {  	v0 =	vld [tilespmem:s24+$0x6010]  }
0xe1: {  	_ =	sdelay $0x1  }
0xe2: {  	p0 =	seq.s32 s16, $0x27  }
.Ltmp7:
0xe3: {  	_ = 	snop;
	(pc) =	sbr.rel @p0 .LBB2_12-.Ltmp7, $4  }
0xe4: {  	v1 =	vshll.u32 v0, $0x10  }
0xe5: {  	v63 =	vand.u32 $0xFFFF0000, v0;
	[tilespmem:s20+$0x0] =	vst v1  }
0xe6: {  	s19 =	sadd.s32 $0x2880, s17;
	[tilespmem:s20+$0x10] =	vst v63  }
0xe7: {  	[spmem:s3] =	stream.indirect.scatter.add.f32 [tilespmem:s13], [sflag:$0x4], $0x40, s19, s6, $0xb8;
	[tilespmem:$0x1D000] =	vst v63  }
.Ltmp8:
0xe8: {  	(pc) =	sbr.rel .LBB2_2-.Ltmp8, $3  }
0xe9: {  	_ =	sdelay $0x1  }
0xea: {  	s17 =	sadd.s32 $0x180, s17;
	s16 =	sadd.s32 $0x1, s16  }
0xeb: {  	[tilespmem:s8], [sflag:$0x2] =	stream.indirect.gather [spmem:s2], $0x20, s17, s6, $0xb8;
	[tilespmem:$0x1D000] =	vst v63  }
.LBB2_12:
0xec: {  	_ =	swait.ge [sflag:s14], $0x2000  }
0xed: {  	[sflag:s14] =	ssyncset.done $0x0  }
0xee: {  	[sflag:s14] =	ssyncadd.s32 $0xFFFFE000  }
0xef: {  	_ =	swait.ge [sflag:s12], $0x2000  }
0xf0: {  	[sflag:s12] =	ssyncset.done $0x0  }
0xf1: {  	s16 =	simm.s32 $0x0;
	s17 =	rddreg [dreg:$0xc];
	[sflag:s12] =	ssyncadd.s32 $0xFFFFE000  }
0xf2: {  	[tilespmem:s16], [sflag:$0x5] =	stream.linear.gather [hbm4b:s17+s16], $0x2800, $0x38;
	[tilespmem:$0x1D000] =	vst v63  }
0xf3: {  	_ =	swait.ge [sflag:s1], $0x2800  }
0xf4: {  	[sflag:s1] =	ssyncset.done $0x0  }
0xf5: {  	s24 =	rddreg [dreg:$0xd];
	[sflag:s1] =	ssyncadd.s32 $0xFFFFD800  }
0xf6: {  	[tilespmem:s5], [sflag:$0x5] =	stream.linear.gather [hbm4b:s24+s16], $0x2800, $0x38;
	[tilespmem:$0x1D000] =	vst v63  }
0xf7: {  	_ =	swait.ge [sflag:s1], $0x2800  }
0xf8: {  	[sflag:s1] =	ssyncset.done $0x0  }
0xf9: {  	[sflag:s1] =	ssyncadd.s32 $0xFFFFD800  }
0xfa: {  	[tilespmem:s7], [sflag:$0x1] =	stream.indirect.gather [spmem:s2], $0x20, s16, s6, $0xb8;
	[tilespmem:$0x1D000] =	vst v63  }
0xfb: {  	_ = 	snop  }
0xfc: {  	[tilespmem:s8], [sflag:$0x2] =	stream.indirect.gather [spmem:s2], $0x20, s6, s6, $0xb8;
	[tilespmem:$0x1D000] =	vst v63  }
.LBB2_13:
0xfd: {  	_ =	swait.ge [sflag:s9], $0x1000  }
0xfe: {  	p0 =	seq.s32 s16, $0x0;
	[sflag:s9] =	ssyncset.done $0x0  }
0xff: {  	s17 =	simm.s32 @!p0 $0x3;
	[sflag:s9] =	ssyncadd.s32 $0xFFFFF000  }
0x100: {  	_ =	swait.ge @!p0 [sflag:s17], $0x2000  }
0x101: {  	[sflag:s17] =	ssyncset.done @!p0 $0x0  }
0x102: {  	s20 =	simm.s32 $0x0;
	[sflag:s17] =	ssyncadd.s32 @!p0 $0xFFFFE000  }
0x103: {  	v0 =	vld [tilespmem:s20+$0x5000];
	_ =	sdelay $0x4  }
0x104: {  	s17 =	simm.s32 $0x7020;
	v1 =	vshll.u32 v0, $0x10  }
0x105: {  	v0 =	vand.u32 $0xFFFF0000, v0;
	[tilespmem:s17+$0xFFFFFFE0] =	vst v1  }
0x106: {  	[tilespmem:s17+$0xFFFFFFF0] =	vst v0  }
0x107: {  	s19 =	sshll.u32 s16, $0xA;
	s22 =	simm.s32 $0x80;
	v0 =	vld [tilespmem:s20+$0x5010];
	s20 =	simm.s32 $0x7020  }
.LBB2_14:
0x108: {  	_ =	sdelay $0x2  }
0x109: {  	p1 =	sne.s32 s22, $0x3F80  }
0x10a: {  	s17 =	sadd.s32 $0x40, s17;
	s24 =	smov.u32 s22;
	s22 =	sadd.s32 $0x80, s22;
	v1 =	vshll.u32 v0, $0x10;
	v0 =	vand.u32 $0xFFFF0000, v0  }
0x10b: {  	[tilespmem:s20+$0x0] =	vst v1  }
0x10c: {  	s24 =	sshra.s32 s24, $0x2;
	[tilespmem:s20+$0x10] =	vst v0;
	s20 =	smov.u32 s17  }
0x10d: {  	v0 =	vld [tilespmem:s24+$0x5000];
	_ =	sdelay $0x3  }
.Ltmp9:
0x10e: {  	(pc) =	sbr.rel @p1 .LBB2_14-.Ltmp9, $4  }
0x10f: {  	v1 =	vshll.u32 v0, $0x10;
	v0 =	vand.u32 $0xFFFF0000, v0  }
0x110: {  	[tilespmem:s17+$0xFFFFFFE0] =	vst v1  }
0x111: {  	[tilespmem:s17+$0xFFFFFFF0] =	vst v0  }
0x112: {  	v0 =	vld [tilespmem:s24+$0x5010]  }
0x113: {  	_ =	sdelay $0x1  }
0x114: {  	p1 =	sne.s32 s16, $0x27  }
.Ltmp10:
0x115: {  	_ = 	snop;
	(pc) =	sbr.rel @p1 .LBB2_17-.Ltmp10, $4  }
0x116: {  	v1 =	vshll.u32 v0, $0x10  }
0x117: {  	s17 =	sshrl.u32 s19, $0x2;
	v63 =	vand.u32 $0xFFFF0000, v0;
	[tilespmem:s20+$0x0] =	vst v1  }
0x118: {  	s19 =	sadd.s32 $0x2800, s17;
	[tilespmem:s20+$0x10] =	vst v63  }
0x119: {  	[spmem:s3] =	stream.indirect.scatter.add.f32 [tilespmem:s10], [sflag:$0x3], $0x40, s19, s6, $0xb8;
	[tilespmem:$0x1D000] =	vst v63  }
.Ltmp11:
0x11a: {  	(pc) =	sbr.rel .LBB2_18-.Ltmp11, $4  }
0x11b: {  	_ = 	snop  }
0x11c: {  	_ =	swait.ge [sflag:s11], $0x1000  }
0x11d: {  	[sflag:s11] =	ssyncset.done $0x0  }
0x11e: {  	[sflag:s11] =	ssyncadd.s32 $0xFFFFF000  }
.LBB2_17:
.Ltmp12:
0x11f: {  	s19 =	sadd.s32 $0x100, s17;
	(pc) =	sbr.rel @p0 .LBB2_19-.Ltmp12, $4  }
0x120: {  	[tilespmem:s7], [sflag:$0x1] =	stream.indirect.gather [spmem:s2], $0x20, s19, s6, $0xb8;
	[tilespmem:$0x1D000] =	vst v63  }
0x121: {  	_ =	swait.ge [sflag:s11], $0x1000  }
0x122: {  	[sflag:s11] =	ssyncset.done $0x0  }
0x123: {  	[sflag:s11] =	ssyncadd.s32 $0xFFFFF000  }
.LBB2_18:
0x124: {  	_ =	swait.ge [sflag:s12], $0x2000  }
0x125: {  	[sflag:s12] =	ssyncset.done $0x0  }
0x126: {  	[sflag:s12] =	ssyncadd.s32 $0xFFFFE000  }
.LBB2_19:
0x127: {  	s20 =	simm.s32 $0x0  }
0x128: {  	v0 =	vld [tilespmem:s20+$0x6000];
	_ =	sdelay $0x4  }
0x129: {  	s19 =	simm.s32 $0x9020;
	v1 =	vshll.u32 v0, $0x10  }
0x12a: {  	v0 =	vand.u32 $0xFFFF0000, v0;
	[tilespmem:s19+$0xFFFFFFE0] =	vst v1  }
0x12b: {  	[tilespmem:s19+$0xFFFFFFF0] =	vst v0  }
0x12c: {  	s22 =	simm.s32 $0x80;
	v0 =	vld [tilespmem:s20+$0x6010];
	s20 =	simm.s32 $0x9020  }
.LBB2_20:
0x12d: {  	_ =	sdelay $0x2  }
0x12e: {  	p0 =	sne.s32 s22, $0x3F80  }
0x12f: {  	s19 =	sadd.s32 $0x40, s19;
	s24 =	smov.u32 s22;
	s22 =	sadd.s32 $0x80, s22;
	v1 =	vshll.u32 v0, $0x10;
	v0 =	vand.u32 $0xFFFF0000, v0  }
0x130: {  	[tilespmem:s20+$0x0] =	vst v1  }
0x131: {  	s24 =	sshra.s32 s24, $0x2;
	[tilespmem:s20+$0x10] =	vst v0;
	s20 =	smov.u32 s19  }
0x132: {  	v0 =	vld [tilespmem:s24+$0x6000];
	_ =	sdelay $0x3  }
.Ltmp13:
0x133: {  	(pc) =	sbr.rel @p0 .LBB2_20-.Ltmp13, $4  }
0x134: {  	v1 =	vshll.u32 v0, $0x10;
	v0 =	vand.u32 $0xFFFF0000, v0  }
0x135: {  	[tilespmem:s19+$0xFFFFFFE0] =	vst v1  }
0x136: {  	[tilespmem:s19+$0xFFFFFFF0] =	vst v0  }
0x137: {  	v0 =	vld [tilespmem:s24+$0x6010]  }
0x138: {  	_ =	sdelay $0x1  }
0x139: {  	p0 =	seq.s32 s16, $0x27  }
.Ltmp14:
0x13a: {  	_ = 	snop;
	(pc) =	sbr.rel @p0 .LBB2_23-.Ltmp14, $4  }
0x13b: {  	v1 =	vshll.u32 v0, $0x10  }
0x13c: {  	v63 =	vand.u32 $0xFFFF0000, v0;
	[tilespmem:s20+$0x0] =	vst v1  }
0x13d: {  	s19 =	sadd.s32 $0x2880, s17;
	[tilespmem:s20+$0x10] =	vst v63  }
0x13e: {  	[spmem:s3] =	stream.indirect.scatter.add.f32 [tilespmem:s13], [sflag:$0x4], $0x40, s19, s6, $0xb8;
	[tilespmem:$0x1D000] =	vst v63  }
.Ltmp15:
0x13f: {  	(pc) =	sbr.rel .LBB2_13-.Ltmp15, $3  }
0x140: {  	_ =	sdelay $0x1  }
0x141: {  	s17 =	sadd.s32 $0x180, s17;
	s16 =	sadd.s32 $0x1, s16  }
0x142: {  	[tilespmem:s8], [sflag:$0x2] =	stream.indirect.gather [spmem:s2], $0x20, s17, s6, $0xb8;
	[tilespmem:$0x1D000] =	vst v63  }
.LBB2_24:
0x143: {  	_ =	sfence.sel $0x180000  }
0x144: {  	[bflag:$0x0] =	sbarrier.arrive $0xFFFF  }
0x145: {  	_ =	strace $0x9000004A  }
0x146: {  	s0 =	stileid.u32;
	[bflag:$0x2] =	sbarrier.arrive $0xFFFF  }
0x147: {  	p0 =	sne.s32 s0, $0x0;
	s0 =	rddreg [dreg:$0x4]  }
0x148: {  	s0 =	sadd.s32 @!p0 $0x100000, s0  }
0x149: {  	[sflag:s0] =	ssyncadd.tile.s32 @!p0 $0x1;
	_ =	shalt  }
.Lfunc_end2:
_tile_overlayer_lowered:
.L_overlay_start_2:
0x14a: {  	(tag) =	ssettag $0x2  }
0x14b: {  	s0 =	rddreg [dreg:$0x0];
	s2 =	stileid.u32  }
0x14c: {  	s1 =	rddreg [dreg:$0x1];
	p0 =	sne.s32 s2, $0x0  }
0x14d: {  	s3 =	rddreg [dreg:$0x2];
	[bflag:$0x3] =	sbarrier.arrive $0xFFFF;
	s2 =	simm.s32 @!p0 $0x1C05  }
0x14e: {  	[timem:s3], [sflag:s2] =	dma.local @!p0 [hbm:s0], s1  }
0x14f: {  	s0 =	simm.s32 @!p0 $0x5  }
0x150: {  	_ =	swait.ge @!p0 [sflag:s0], s1  }
0x151: {  	s1 =	ssub.s32 @!p0 $0x0, s1;
	[sflag:s0] =	ssyncset.done @!p0 $0x0  }
0x152: {  	[sflag:s0] =	ssyncadd.s32 @!p0 s1  }
0x153: {  	[bflag:$0x3] =	sbarrier.arrive $0xFFFF  }
0x154: {  	_ =	shalt  }

</sc_bundles>
